<compile_context>
chip_gen: v7x
topology: tpu7x:2x2x1
jax: 0.10.2.dev20260603
libtpu: 0.0.44.dev20260713+nightly
codegen_flags: <defaults>
</compile_context>

<pallas_src>
import functools

import jax
import jax.numpy as jnp
from jax import lax
from jax.experimental import pallas as pl
from jax.experimental.pallas import tpu as pltpu
from jax.experimental.pallas import tpu_sc as plsc

BATCH = 16384
NC, NS, L = 2, 16, 16
NW = NC * NS
B_PER_W = BATCH // NW
CHUNK = 128
NCHUNK = B_PER_W // CHUNK
D = 64
IDXW = 128
BLKR = 8192
NSTR = 4


def _score_kernel(w_ref, *refs):
    xs, os = refs[:NSTR], refs[NSTR:]
    for x_ref, o_ref in zip(xs, os):
        o_ref[...] = lax.dot_general(
            w_ref[...], x_ref[...],
            dimension_numbers=(((1,), (1,)), ((), ())),
            preferred_element_type=jnp.float32)[None]


def _scores(table, w_half):
    rows = table.shape[0]
    grid = (rows + NSTR * BLKR - 1) // (NSTR * BLKR)

    maxb = (rows + BLKR - 1) // BLKR - 1

    def mk_in(k):
        return pl.BlockSpec(
            (BLKR, D),
            lambda i, k=k: (jnp.minimum(NSTR * i + k, maxb), 0))

    outs = pl.pallas_call(
        _score_kernel,
        grid=(grid,),
        in_specs=[pl.BlockSpec((1, D), lambda i: (0, 0))]
        + [mk_in(k) for k in range(NSTR)],
        out_specs=[
            pl.BlockSpec((1, 1, BLKR), lambda i: (i, 0, 0))
            for _ in range(NSTR)
        ],
        out_shape=[
            jax.ShapeDtypeStruct((grid, 1, BLKR), jnp.float32)
            for _ in range(NSTR)
        ],
    )(w_half, *([table] * NSTR))
    merged = jnp.stack([o.reshape(grid, BLKR) for o in outs], axis=1)
    return merged.reshape(grid * NSTR * BLKR // CHUNK, CHUNK)


def _lookup_kernel(urow_hbm, ucol_hbm, irow_hbm, icol_hbm,
                   us_hbm, is_hbm, b_hbm, out_hbm,
                   urow_v, ucol_v, irow_v, icol_v,
                   usc_v, isc_v, b_v, logit_v, usem, isem):
    wid = lax.axis_index("s") * NC + lax.axis_index("c")
    base = wid * NCHUNK

    pltpu.sync_copy(urow_hbm.at[pl.ds(base, NCHUNK)], urow_v)
    pltpu.sync_copy(ucol_hbm.at[pl.ds(base, NCHUNK)], ucol_v)
    pltpu.sync_copy(irow_hbm.at[pl.ds(base, NCHUNK)], irow_v)
    pltpu.sync_copy(icol_hbm.at[pl.ds(base, NCHUNK)], icol_v)
    pltpu.sync_copy(b_hbm, b_v)

    bias = b_v[pl.ds(0, L)]
    rows0 = lax.iota(jnp.int32, L)

    for j in range(NCHUNK):
        cu = pltpu.async_copy(us_hbm.at[urow_v.at[j]], usc_v, usem)
        ci = pltpu.async_copy(is_hbm.at[irow_v.at[j]], isc_v, isem)
        cu.wait()
        ci.wait()

        def group_body(g, _, j=j):
            rows = rows0 + g * L
            uv = plsc.load_gather(usc_v, [rows, ucol_v[j, pl.ds(g * L, L)]])
            iv = plsc.load_gather(isc_v, [rows, icol_v[j, pl.ds(g * L, L)]])
            x = uv + iv + bias
            logit_v[pl.ds(j * CHUNK + g * L, L)] = 1.0 / (1.0 + jnp.exp(-x))
            return 0

        lax.fori_loop(0, CHUNK // L, group_body, 0)

    pltpu.sync_copy(logit_v, out_hbm.at[pl.ds(wid * B_PER_W, B_PER_W)])


@jax.jit
def kernel(batch_user_id, batch_item_id, user_table, item_table, W, b):
    uid = batch_user_id.astype(jnp.int32)
    iid = batch_item_id.astype(jnp.int32)
    urow = (uid >> 7).reshape(BATCH // IDXW, IDXW)
    ucol = (uid & 127).reshape(BATCH // IDXW, IDXW)
    irow = (iid >> 7).reshape(BATCH // IDXW, IDXW)
    icol = (iid & 127).reshape(BATCH // IDXW, IDXW)
    b16 = jnp.broadcast_to(b, (L,))

    us2 = _scores(user_table, W[:D].reshape(1, D))
    is2 = _scores(item_table, W[D:].reshape(1, D))

    run = functools.partial(
        pl.kernel,
        out_type=jax.ShapeDtypeStruct((BATCH,), jnp.float32),
        mesh=plsc.VectorSubcoreMesh(core_axis_name="c", subcore_axis_name="s"),
        compiler_params=pltpu.CompilerParams(needs_layout_passes=False),
        scratch_types=[
            pltpu.VMEM((NCHUNK, IDXW), jnp.int32),
            pltpu.VMEM((NCHUNK, IDXW), jnp.int32),
            pltpu.VMEM((NCHUNK, IDXW), jnp.int32),
            pltpu.VMEM((NCHUNK, IDXW), jnp.int32),
            pltpu.VMEM((CHUNK, CHUNK), jnp.float32),
            pltpu.VMEM((CHUNK, CHUNK), jnp.float32),
            pltpu.VMEM((L,), jnp.float32),
            pltpu.VMEM((B_PER_W,), jnp.float32),
            pltpu.SemaphoreType.DMA,
            pltpu.SemaphoreType.DMA,
        ],
    )(_lookup_kernel)
    out = run(urow, ucol, irow, icol, us2, is2, b16)
    return out.reshape(BATCH, 1)

# --- scband reference (transcript-rebuilt; emitter-appended) ---
"""Pipeline reference for scband-lr-68247030334208 (READ-ONLY COPY).

The authoritative reference and input builder live on the scoring server;
editing this copy changes nothing except your own understanding.
"""

import jax, jax.numpy as jnp
import numpy as np

USER_VOCAB = 1000000
ITEM_VOCAB = 100000
USER_DIM = 64
ITEM_DIM = 64
BATCH = 16384

def setup_inputs(seed: int = 0) -> dict:
    key = jax.random.key(seed)
    k1, k2, k3, k4, k5, k6 = jax.random.split(key, 6)
    batch_user_id = jax.random.randint(k1, (BATCH,), 0, USER_VOCAB, dtype=jnp.int64 if jax.config.jax_enable_x64 else jnp.int32)
    batch_item_id = jax.random.randint(k2, (BATCH,), 0, ITEM_VOCAB, dtype=jnp.int64 if jax.config.jax_enable_x64 else jnp.int32)
    user_table = jax.random.normal(k3, (USER_VOCAB, USER_DIM), dtype=jnp.float32) * 0.02
    item_table = jax.random.normal(k4, (ITEM_VOCAB, ITEM_DIM), dtype=jnp.float32) * 0.02
    W = jax.random.normal(k5, (USER_DIM + ITEM_DIM, 1), dtype=jnp.float32) * (1.0 / np.sqrt(USER_DIM + ITEM_DIM))
    b = jnp.zeros((1,), dtype=jnp.float32)
    return {"batch_user_id": batch_user_id, "batch_item_id": batch_item_id,
            "user_table": user_table, "item_table": item_table, "W": W, "b": b}

def reference(batch_user_id, batch_item_id, user_table, item_table, W, b):
    user_emb = jnp.take(user_table, batch_user_id, axis=0)
    item_emb = jnp.take(item_table, batch_item_id, axis=0)
    concat_emb = jnp.concatenate([user_emb, item_emb], axis=1)
    logits = concat_emb @ W + b
    pred = jax.nn.sigmoid(logits)
    return pred

if __name__ == "__main__":
    import jax
    _d = setup_inputs()
    print(jax.jit(kernel)(*tuple(_d.values())))

</pallas_src>

<mosaic_0001>
#map = affine_map<(d0, d1) -> (0, 0)>
#map1 = affine_map<(d0, d1) -> (0)>
module attributes {stable_mosaic.version = 14 : i64} {
  func.func @_lookup_kernel(%arg0: i32, %arg1: i32, %arg2: memref<128x128xi32, #tpu.memory_space<hbm>>, %arg3: memref<128x128xi32, #tpu.memory_space<hbm>>, %arg4: memref<128x128xi32, #tpu.memory_space<hbm>>, %arg5: memref<128x128xi32, #tpu.memory_space<hbm>>, %arg6: memref<7936x128xf32, #tpu.memory_space<hbm>>, %arg7: memref<1024x128xf32, #tpu.memory_space<hbm>>, %arg8: memref<16xf32, #tpu.memory_space<hbm>>, %arg9: memref<16384xf32, #tpu.memory_space<hbm>>, %arg10: memref<4x128xi32, #tpu.memory_space<vmem>>, %arg11: memref<4x128xi32, #tpu.memory_space<vmem>>, %arg12: memref<4x128xi32, #tpu.memory_space<vmem>>, %arg13: memref<4x128xi32, #tpu.memory_space<vmem>>, %arg14: memref<128x128xf32, #tpu.memory_space<vmem>>, %arg15: memref<128x128xf32, #tpu.memory_space<vmem>>, %arg16: memref<16xf32, #tpu.memory_space<vmem>>, %arg17: memref<512xf32, #tpu.memory_space<vmem>>, %arg18: memref<!tpu.dma_semaphore, #tpu.memory_space<semaphore_mem>>, %arg19: memref<!tpu.dma_semaphore, #tpu.memory_space<semaphore_mem>>) attributes {dimension_semantics = [#tpu.dimension_semantics<core_parallel>, #tpu.dimension_semantics<subcore_parallel>], iteration_bounds = array<i64: 2, 16>, scalar_prefetch = 0 : i64, scratch_operands = 10 : i64, tpu.core_type = #tpu.core_type<sc_vector_subcore>, window_params = [{transform_indices = #map}, {transform_indices = #map}, {transform_indices = #map}, {transform_indices = #map}, {transform_indices = #map}, {transform_indices = #map}, {transform_indices = #map1}, {transform_indices = #map1}]} {
    %mul3A = arith.constant 2 : i32
    %mul3A_0 = arith.muli %arg1, %mul3A : i32
    %add3A = arith.addi %mul3A_0, %arg0 : i32
    %mul3A_1 = arith.constant 4 : i32
    %mul3A_2 = arith.muli %add3A, %mul3A_1 : i32
    "tpu.region"() ({
      %run_scoped3A = tpu.sem_alloc : memref<!tpu.dma_semaphore, #tpu.memory_space<semaphore_mem>>
      %dma_start3A_143 = arith.constant 0 : i32
      %dma_start3A_144 = tpu.memref_slice %arg2[%mul3A_2, %dma_start3A_143] : memref<128x128xi32, #tpu.memory_space<hbm>> -> memref<4x128xi32, #tpu.memory_space<hbm>>
      %dma_start3A_145 = arith.constant 0 : i32
      %dma_start3A_146 = tpu.memref_slice %arg2[%mul3A_2, %dma_start3A_145] : memref<128x128xi32, #tpu.memory_space<hbm>> -> memref<4x128xi32, #tpu.memory_space<hbm>>
      tpu.enqueue_dma source(%dma_start3A_146 : memref<4x128xi32, #tpu.memory_space<hbm>>) target(%arg10 : memref<4x128xi32, #tpu.memory_space<vmem>>) target_semaphore(%run_scoped3A : memref<!tpu.dma_semaphore, #tpu.memory_space<semaphore_mem>>)
      %dma_wait3A_147 = arith.constant 0 : i32
      %dma_wait3A_148 = tpu.memref_slice %arg2[%mul3A_2, %dma_wait3A_147] : memref<128x128xi32, #tpu.memory_space<hbm>> -> memref<4x128xi32, #tpu.memory_space<hbm>>
      %dma_wait3A_149 = arith.constant 0 : i32
      %dma_wait3A_150 = tpu.memref_slice %arg2[%mul3A_2, %dma_wait3A_149] : memref<128x128xi32, #tpu.memory_space<hbm>> -> memref<4x128xi32, #tpu.memory_space<hbm>>
      tpu.wait_dma2 semaphore(%run_scoped3A : memref<!tpu.dma_semaphore, #tpu.memory_space<semaphore_mem>>) src(%dma_wait3A_150 : memref<4x128xi32, #tpu.memory_space<hbm>>) dst(%arg10 : memref<4x128xi32, #tpu.memory_space<vmem>>)
      tpu.yield
    }) : () -> ()
    "tpu.region"() ({
      %run_scoped3A = tpu.sem_alloc : memref<!tpu.dma_semaphore, #tpu.memory_space<semaphore_mem>>
      %dma_start3A_143 = arith.constant 0 : i32
      %dma_start3A_144 = tpu.memref_slice %arg3[%mul3A_2, %dma_start3A_143] : memref<128x128xi32, #tpu.memory_space<hbm>> -> memref<4x128xi32, #tpu.memory_space<hbm>>
      %dma_start3A_145 = arith.constant 0 : i32
      %dma_start3A_146 = tpu.memref_slice %arg3[%mul3A_2, %dma_start3A_145] : memref<128x128xi32, #tpu.memory_space<hbm>> -> memref<4x128xi32, #tpu.memory_space<hbm>>
      tpu.enqueue_dma source(%dma_start3A_146 : memref<4x128xi32, #tpu.memory_space<hbm>>) target(%arg11 : memref<4x128xi32, #tpu.memory_space<vmem>>) target_semaphore(%run_scoped3A : memref<!tpu.dma_semaphore, #tpu.memory_space<semaphore_mem>>)
      %dma_wait3A_147 = arith.constant 0 : i32
      %dma_wait3A_148 = tpu.memref_slice %arg3[%mul3A_2, %dma_wait3A_147] : memref<128x128xi32, #tpu.memory_space<hbm>> -> memref<4x128xi32, #tpu.memory_space<hbm>>
      %dma_wait3A_149 = arith.constant 0 : i32
      %dma_wait3A_150 = tpu.memref_slice %arg3[%mul3A_2, %dma_wait3A_149] : memref<128x128xi32, #tpu.memory_space<hbm>> -> memref<4x128xi32, #tpu.memory_space<hbm>>
      tpu.wait_dma2 semaphore(%run_scoped3A : memref<!tpu.dma_semaphore, #tpu.memory_space<semaphore_mem>>) src(%dma_wait3A_150 : memref<4x128xi32, #tpu.memory_space<hbm>>) dst(%arg11 : memref<4x128xi32, #tpu.memory_space<vmem>>)
      tpu.yield
    }) : () -> ()
    "tpu.region"() ({
      %run_scoped3A = tpu.sem_alloc : memref<!tpu.dma_semaphore, #tpu.memory_space<semaphore_mem>>
      %dma_start3A_143 = arith.constant 0 : i32
      %dma_start3A_144 = tpu.memref_slice %arg4[%mul3A_2, %dma_start3A_143] : memref<128x128xi32, #tpu.memory_space<hbm>> -> memref<4x128xi32, #tpu.memory_space<hbm>>
      %dma_start3A_145 = arith.constant 0 : i32
      %dma_start3A_146 = tpu.memref_slice %arg4[%mul3A_2, %dma_start3A_145] : memref<128x128xi32, #tpu.memory_space<hbm>> -> memref<4x128xi32, #tpu.memory_space<hbm>>
      tpu.enqueue_dma source(%dma_start3A_146 : memref<4x128xi32, #tpu.memory_space<hbm>>) target(%arg12 : memref<4x128xi32, #tpu.memory_space<vmem>>) target_semaphore(%run_scoped3A : memref<!tpu.dma_semaphore, #tpu.memory_space<semaphore_mem>>)
      %dma_wait3A_147 = arith.constant 0 : i32
      %dma_wait3A_148 = tpu.memref_slice %arg4[%mul3A_2, %dma_wait3A_147] : memref<128x128xi32, #tpu.memory_space<hbm>> -> memref<4x128xi32, #tpu.memory_space<hbm>>
      %dma_wait3A_149 = arith.constant 0 : i32
      %dma_wait3A_150 = tpu.memref_slice %arg4[%mul3A_2, %dma_wait3A_149] : memref<128x128xi32, #tpu.memory_space<hbm>> -> memref<4x128xi32, #tpu.memory_space<hbm>>
      tpu.wait_dma2 semaphore(%run_scoped3A : memref<!tpu.dma_semaphore, #tpu.memory_space<semaphore_mem>>) src(%dma_wait3A_150 : memref<4x128xi32, #tpu.memory_space<hbm>>) dst(%arg12 : memref<4x128xi32, #tpu.memory_space<vmem>>)
      tpu.yield
    }) : () -> ()
    "tpu.region"() ({
      %run_scoped3A = tpu.sem_alloc : memref<!tpu.dma_semaphore, #tpu.memory_space<semaphore_mem>>
      %dma_start3A_143 = arith.constant 0 : i32
      %dma_start3A_144 = tpu.memref_slice %arg5[%mul3A_2, %dma_start3A_143] : memref<128x128xi32, #tpu.memory_space<hbm>> -> memref<4x128xi32, #tpu.memory_space<hbm>>
      %dma_start3A_145 = arith.constant 0 : i32
      %dma_start3A_146 = tpu.memref_slice %arg5[%mul3A_2, %dma_start3A_145] : memref<128x128xi32, #tpu.memory_space<hbm>> -> memref<4x128xi32, #tpu.memory_space<hbm>>
      tpu.enqueue_dma source(%dma_start3A_146 : memref<4x128xi32, #tpu.memory_space<hbm>>) target(%arg13 : memref<4x128xi32, #tpu.memory_space<vmem>>) target_semaphore(%run_scoped3A : memref<!tpu.dma_semaphore, #tpu.memory_space<semaphore_mem>>)
      %dma_wait3A_147 = arith.constant 0 : i32
      %dma_wait3A_148 = tpu.memref_slice %arg5[%mul3A_2, %dma_wait3A_147] : memref<128x128xi32, #tpu.memory_space<hbm>> -> memref<4x128xi32, #tpu.memory_space<hbm>>
      %dma_wait3A_149 = arith.constant 0 : i32
      %dma_wait3A_150 = tpu.memref_slice %arg5[%mul3A_2, %dma_wait3A_149] : memref<128x128xi32, #tpu.memory_space<hbm>> -> memref<4x128xi32, #tpu.memory_space<hbm>>
      tpu.wait_dma2 semaphore(%run_scoped3A : memref<!tpu.dma_semaphore, #tpu.memory_space<semaphore_mem>>) src(%dma_wait3A_150 : memref<4x128xi32, #tpu.memory_space<hbm>>) dst(%arg13 : memref<4x128xi32, #tpu.memory_space<vmem>>)
      tpu.yield
    }) : () -> ()
    "tpu.region"() ({
      %run_scoped3A = tpu.sem_alloc : memref<!tpu.dma_semaphore, #tpu.memory_space<semaphore_mem>>
      tpu.enqueue_dma source(%arg8 : memref<16xf32, #tpu.memory_space<hbm>>) target(%arg16 : memref<16xf32, #tpu.memory_space<vmem>>) target_semaphore(%run_scoped3A : memref<!tpu.dma_semaphore, #tpu.memory_space<semaphore_mem>>)
      tpu.wait_dma2 semaphore(%run_scoped3A : memref<!tpu.dma_semaphore, #tpu.memory_space<semaphore_mem>>) src(%arg8 : memref<16xf32, #tpu.memory_space<hbm>>) dst(%arg16 : memref<16xf32, #tpu.memory_space<vmem>>)
      tpu.yield
    }) : () -> ()
    %get3A = arith.constant 0 : index
    %get3A_3 = tpu.vector_load %arg16[%get3A] {strides = array<i32>} : memref<16xf32, #tpu.memory_space<vmem>>, vector<16xf32>,
    %iota3A = tpu.iota {dimensions = array<i32: 0>} : vector<16xi32>
    %dma_start3A = arith.constant 0 : i32
    %dma_start3A_4 = arith.constant 0 : i32
    %dma_start3A_5 = tpu.memref_slice %arg10[%dma_start3A, %dma_start3A_4] : memref<4x128xi32, #tpu.memory_space<vmem>> -> memref<1x128xi32, #tpu.memory_space<vmem>>
    %dma_start3A_6 = tpu.memref_squeeze %dma_start3A_5 : memref<1x128xi32, #tpu.memory_space<vmem>> -> memref<128xi32, #tpu.memory_space<vmem>>
    %dma_start3A_7 = arith.constant 0 : i32
    %dma_start3A_8 = arith.constant 0 : i32
    %dma_start3A_9 = tpu.memref_slice %arg6[%dma_start3A_7, %dma_start3A_8] : memref<7936x128xf32, #tpu.memory_space<hbm>> -> memref<7936x128xf32, #tpu.memory_space<hbm>>
    tpu.enqueue_indirect_dma source(%dma_start3A_9 : memref<7936x128xf32, #tpu.memory_space<hbm>>) target(%arg14 : memref<128x128xf32, #tpu.memory_space<vmem>>) offsets(%dma_start3A_6 : memref<128xi32, #tpu.memory_space<vmem>>) semaphore(%arg18 : memref<!tpu.dma_semaphore, #tpu.memory_space<semaphore_mem>>)
    %dma_start3A_10 = arith.constant 0 : i32
    %dma_start3A_11 = arith.constant 0 : i32
    %dma_start3A_12 = tpu.memref_slice %arg12[%dma_start3A_10, %dma_start3A_11] : memref<4x128xi32, #tpu.memory_space<vmem>> -> memref<1x128xi32, #tpu.memory_space<vmem>>
    %dma_start3A_13 = tpu.memref_squeeze %dma_start3A_12 : memref<1x128xi32, #tpu.memory_space<vmem>> -> memref<128xi32, #tpu.memory_space<vmem>>
    %dma_start3A_14 = arith.constant 0 : i32
    %dma_start3A_15 = arith.constant 0 : i32
    %dma_start3A_16 = tpu.memref_slice %arg7[%dma_start3A_14, %dma_start3A_15] : memref<1024x128xf32, #tpu.memory_space<hbm>> -> memref<1024x128xf32, #tpu.memory_space<hbm>>
    tpu.enqueue_indirect_dma source(%dma_start3A_16 : memref<1024x128xf32, #tpu.memory_space<hbm>>) target(%arg15 : memref<128x128xf32, #tpu.memory_space<vmem>>) offsets(%dma_start3A_13 : memref<128xi32, #tpu.memory_space<vmem>>) semaphore(%arg19 : memref<!tpu.dma_semaphore, #tpu.memory_space<semaphore_mem>>)
    %dma_wait3A = arith.constant 0 : i32
    %dma_wait3A_17 = arith.constant 0 : i32
    %dma_wait3A_18 = tpu.memref_slice %arg10[%dma_wait3A, %dma_wait3A_17] : memref<4x128xi32, #tpu.memory_space<vmem>> -> memref<1x128xi32, #tpu.memory_space<vmem>>
    %dma_wait3A_19 = tpu.memref_squeeze %dma_wait3A_18 : memref<1x128xi32, #tpu.memory_space<vmem>> -> memref<128xi32, #tpu.memory_space<vmem>>
    %dma_wait3A_20 = arith.constant 0 : i32
    %dma_wait3A_21 = arith.constant 0 : i32
    %dma_wait3A_22 = tpu.memref_slice %arg6[%dma_wait3A_20, %dma_wait3A_21] : memref<7936x128xf32, #tpu.memory_space<hbm>> -> memref<7936x128xf32, #tpu.memory_space<hbm>>
    tpu.wait_indirect_dma semaphore(%arg18 : memref<!tpu.dma_semaphore, #tpu.memory_space<semaphore_mem>>) src(%dma_wait3A_22 : memref<7936x128xf32, #tpu.memory_space<hbm>>) dst(%arg14 : memref<128x128xf32, #tpu.memory_space<vmem>>)
    %dma_wait3A_23 = arith.constant 0 : i32
    %dma_wait3A_24 = arith.constant 0 : i32
    %dma_wait3A_25 = tpu.memref_slice %arg12[%dma_wait3A_23, %dma_wait3A_24] : memref<4x128xi32, #tpu.memory_space<vmem>> -> memref<1x128xi32, #tpu.memory_space<vmem>>
    %dma_wait3A_26 = tpu.memref_squeeze %dma_wait3A_25 : memref<1x128xi32, #tpu.memory_space<vmem>> -> memref<128xi32, #tpu.memory_space<vmem>>
    %dma_wait3A_27 = arith.constant 0 : i32
    %dma_wait3A_28 = arith.constant 0 : i32
    %dma_wait3A_29 = tpu.memref_slice %arg7[%dma_wait3A_27, %dma_wait3A_28] : memref<1024x128xf32, #tpu.memory_space<hbm>> -> memref<1024x128xf32, #tpu.memory_space<hbm>>
    tpu.wait_indirect_dma semaphore(%arg19 : memref<!tpu.dma_semaphore, #tpu.memory_space<semaphore_mem>>) src(%dma_wait3A_29 : memref<1024x128xf32, #tpu.memory_space<hbm>>) dst(%arg15 : memref<128x128xf32, #tpu.memory_space<vmem>>)
    %scan3A = arith.constant 0 : i32
    %scan3A_30 = arith.constant 0 : i32
    %scan3A_31 = arith.constant 8 : i32
    %scan3A_32 = arith.addi %scan3A_30, %scan3A_31 : i32
    %scan3A_33 = arith.constant 1 : i32
    %scan3A_34 = scf.for %scan3A_143 = %scan3A_30 to %scan3A_32 step %scan3A_33 iter_args(%scan3A_144 = %scan3A) -> (i32)  : i32 {
      %mul3A_145 = arith.constant 16 : i32
      %mul3A_146 = arith.muli %scan3A_143, %mul3A_145 : i32
      %add3A_147 = vector.broadcast %mul3A_146 : i32 to vector<16xi32>
      %add3A_148 = arith.addi %iota3A, %add3A_147 : vector<16xi32>
      %mul3A_149 = arith.constant 16 : i32
      %mul3A_150 = arith.muli %scan3A_143, %mul3A_149 : i32
      %get3A_151 = arith.constant 0 : i32
      %get3A_152 = arith.index_cast %get3A_151 : i32 to index
      %get3A_153 = arith.index_cast %mul3A_150 : i32 to index
      %get3A_154 = tpu.vector_load %arg11[%get3A_152, %get3A_153] {strides = array<i32>} : memref<4x128xi32, #tpu.memory_space<vmem>>, vector<16xi32>,
      %gather3A = tpu.vector_load_idx %arg14[%add3A_148, %get3A_154] : memref<128x128xf32, #tpu.memory_space<vmem>>[vector<16xi32>, vector<16xi32>], vector<16xf32>,
      %mul3A_155 = arith.constant 16 : i32
      %mul3A_156 = arith.muli %scan3A_143, %mul3A_155 : i32
      %get3A_157 = arith.constant 0 : i32
      %get3A_158 = arith.index_cast %get3A_157 : i32 to index
      %get3A_159 = arith.index_cast %mul3A_156 : i32 to index
      %get3A_160 = tpu.vector_load %arg13[%get3A_158, %get3A_159] {strides = array<i32>} : memref<4x128xi32, #tpu.memory_space<vmem>>, vector<16xi32>,
      %gather3A_161 = tpu.vector_load_idx %arg15[%add3A_148, %get3A_160] : memref<128x128xf32, #tpu.memory_space<vmem>>[vector<16xi32>, vector<16xi32>], vector<16xf32>,
      %add3A_162 = arith.addf %gather3A, %gather3A_161 : vector<16xf32>
      %add3A_163 = arith.addf %add3A_162, %get3A_3 : vector<16xf32>
      %neg3A = arith.constant 0.000000e+00 : f32
      %neg3A_164 = vector.broadcast %neg3A : f32 to vector<16xf32>
      %neg3A_165 = arith.subf %neg3A_164, %add3A_163 : vector<16xf32>
      %exp3A = math.exp %neg3A_165 : vector<16xf32>
      %add3A_166 = arith.constant 1.000000e+00 : f32
      %add3A_167 = vector.broadcast %add3A_166 : f32 to vector<16xf32>
      %add3A_168 = arith.addf %add3A_167, %exp3A : vector<16xf32>
      %div3A = arith.constant 1.000000e+00 : f32
      %div3A_169 = vector.broadcast %div3A : f32 to vector<16xf32>
      %div3A_170 = arith.divf %div3A_169, %add3A_168 : vector<16xf32>
      %mul3A_171 = arith.constant 16 : i32
      %mul3A_172 = arith.muli %scan3A_143, %mul3A_171 : i32
      %add3A_173 = arith.constant 0 : i32
      %add3A_174 = arith.addi %add3A_173, %mul3A_172 : i32
      %swap3A = arith.index_cast %add3A_174 : i32 to index
      %swap3A_175 = tpu.vector_load %arg17[%swap3A] {strides = array<i32>} : memref<512xf32, #tpu.memory_space<vmem>>, vector<16xf32>,
      tpu.vector_store %arg17[%swap3A], %div3A_170 {strides = array<i32>} : memref<512xf32, #tpu.memory_space<vmem>>, vector<16xf32>,
      %scan3A_176 = arith.constant 0 : i32
      scf.yield %scan3A_176 : i32
    }
    %scan3A_35 = arith.constant 8 : i32
    %dma_start3A_36 = arith.constant 1 : i32
    %dma_start3A_37 = arith.constant 0 : i32
    %dma_start3A_38 = tpu.memref_slice %arg10[%dma_start3A_36, %dma_start3A_37] : memref<4x128xi32, #tpu.memory_space<vmem>> -> memref<1x128xi32, #tpu.memory_space<vmem>>
    %dma_start3A_39 = tpu.memref_squeeze %dma_start3A_38 : memref<1x128xi32, #tpu.memory_space<vmem>> -> memref<128xi32, #tpu.memory_space<vmem>>
    %dma_start3A_40 = arith.constant 0 : i32
    %dma_start3A_41 = arith.constant 0 : i32
    %dma_start3A_42 = tpu.memref_slice %arg6[%dma_start3A_40, %dma_start3A_41] : memref<7936x128xf32, #tpu.memory_space<hbm>> -> memref<7936x128xf32, #tpu.memory_space<hbm>>
    tpu.enqueue_indirect_dma source(%dma_start3A_42 : memref<7936x128xf32, #tpu.memory_space<hbm>>) target(%arg14 : memref<128x128xf32, #tpu.memory_space<vmem>>) offsets(%dma_start3A_39 : memref<128xi32, #tpu.memory_space<vmem>>) semaphore(%arg18 : memref<!tpu.dma_semaphore, #tpu.memory_space<semaphore_mem>>)
    %dma_start3A_43 = arith.constant 1 : i32
    %dma_start3A_44 = arith.constant 0 : i32
    %dma_start3A_45 = tpu.memref_slice %arg12[%dma_start3A_43, %dma_start3A_44] : memref<4x128xi32, #tpu.memory_space<vmem>> -> memref<1x128xi32, #tpu.memory_space<vmem>>
    %dma_start3A_46 = tpu.memref_squeeze %dma_start3A_45 : memref<1x128xi32, #tpu.memory_space<vmem>> -> memref<128xi32, #tpu.memory_space<vmem>>
    %dma_start3A_47 = arith.constant 0 : i32
    %dma_start3A_48 = arith.constant 0 : i32
    %dma_start3A_49 = tpu.memref_slice %arg7[%dma_start3A_47, %dma_start3A_48] : memref<1024x128xf32, #tpu.memory_space<hbm>> -> memref<1024x128xf32, #tpu.memory_space<hbm>>
    tpu.enqueue_indirect_dma source(%dma_start3A_49 : memref<1024x128xf32, #tpu.memory_space<hbm>>) target(%arg15 : memref<128x128xf32, #tpu.memory_space<vmem>>) offsets(%dma_start3A_46 : memref<128xi32, #tpu.memory_space<vmem>>) semaphore(%arg19 : memref<!tpu.dma_semaphore, #tpu.memory_space<semaphore_mem>>)
    %dma_wait3A_50 = arith.constant 1 : i32
    %dma_wait3A_51 = arith.constant 0 : i32
    %dma_wait3A_52 = tpu.memref_slice %arg10[%dma_wait3A_50, %dma_wait3A_51] : memref<4x128xi32, #tpu.memory_space<vmem>> -> memref<1x128xi32, #tpu.memory_space<vmem>>
    %dma_wait3A_53 = tpu.memref_squeeze %dma_wait3A_52 : memref<1x128xi32, #tpu.memory_space<vmem>> -> memref<128xi32, #tpu.memory_space<vmem>>
    %dma_wait3A_54 = arith.constant 0 : i32
    %dma_wait3A_55 = arith.constant 0 : i32
    %dma_wait3A_56 = tpu.memref_slice %arg6[%dma_wait3A_54, %dma_wait3A_55] : memref<7936x128xf32, #tpu.memory_space<hbm>> -> memref<7936x128xf32, #tpu.memory_space<hbm>>
    tpu.wait_indirect_dma semaphore(%arg18 : memref<!tpu.dma_semaphore, #tpu.memory_space<semaphore_mem>>) src(%dma_wait3A_56 : memref<7936x128xf32, #tpu.memory_space<hbm>>) dst(%arg14 : memref<128x128xf32, #tpu.memory_space<vmem>>)
    %dma_wait3A_57 = arith.constant 1 : i32
    %dma_wait3A_58 = arith.constant 0 : i32
    %dma_wait3A_59 = tpu.memref_slice %arg12[%dma_wait3A_57, %dma_wait3A_58] : memref<4x128xi32, #tpu.memory_space<vmem>> -> memref<1x128xi32, #tpu.memory_space<vmem>>
    %dma_wait3A_60 = tpu.memref_squeeze %dma_wait3A_59 : memref<1x128xi32, #tpu.memory_space<vmem>> -> memref<128xi32, #tpu.memory_space<vmem>>
    %dma_wait3A_61 = arith.constant 0 : i32
    %dma_wait3A_62 = arith.constant 0 : i32
    %dma_wait3A_63 = tpu.memref_slice %arg7[%dma_wait3A_61, %dma_wait3A_62] : memref<1024x128xf32, #tpu.memory_space<hbm>> -> memref<1024x128xf32, #tpu.memory_space<hbm>>
    tpu.wait_indirect_dma semaphore(%arg19 : memref<!tpu.dma_semaphore, #tpu.memory_space<semaphore_mem>>) src(%dma_wait3A_63 : memref<1024x128xf32, #tpu.memory_space<hbm>>) dst(%arg15 : memref<128x128xf32, #tpu.memory_space<vmem>>)
    %scan3A_64 = arith.constant 0 : i32
    %scan3A_65 = arith.constant 0 : i32
    %scan3A_66 = arith.constant 8 : i32
    %scan3A_67 = arith.addi %scan3A_65, %scan3A_66 : i32
    %scan3A_68 = arith.constant 1 : i32
    %scan3A_69 = scf.for %scan3A_143 = %scan3A_65 to %scan3A_67 step %scan3A_68 iter_args(%scan3A_144 = %scan3A_64) -> (i32)  : i32 {
      %mul3A_145 = arith.constant 16 : i32
      %mul3A_146 = arith.muli %scan3A_143, %mul3A_145 : i32
      %add3A_147 = vector.broadcast %mul3A_146 : i32 to vector<16xi32>
      %add3A_148 = arith.addi %iota3A, %add3A_147 : vector<16xi32>
      %mul3A_149 = arith.constant 16 : i32
      %mul3A_150 = arith.muli %scan3A_143, %mul3A_149 : i32
      %get3A_151 = arith.constant 1 : i32
      %get3A_152 = arith.index_cast %get3A_151 : i32 to index
      %get3A_153 = arith.index_cast %mul3A_150 : i32 to index
      %get3A_154 = tpu.vector_load %arg11[%get3A_152, %get3A_153] {strides = array<i32>} : memref<4x128xi32, #tpu.memory_space<vmem>>, vector<16xi32>,
      %gather3A = tpu.vector_load_idx %arg14[%add3A_148, %get3A_154] : memref<128x128xf32, #tpu.memory_space<vmem>>[vector<16xi32>, vector<16xi32>], vector<16xf32>,
      %mul3A_155 = arith.constant 16 : i32
      %mul3A_156 = arith.muli %scan3A_143, %mul3A_155 : i32
      %get3A_157 = arith.constant 1 : i32
      %get3A_158 = arith.index_cast %get3A_157 : i32 to index
      %get3A_159 = arith.index_cast %mul3A_156 : i32 to index
      %get3A_160 = tpu.vector_load %arg13[%get3A_158, %get3A_159] {strides = array<i32>} : memref<4x128xi32, #tpu.memory_space<vmem>>, vector<16xi32>,
      %gather3A_161 = tpu.vector_load_idx %arg15[%add3A_148, %get3A_160] : memref<128x128xf32, #tpu.memory_space<vmem>>[vector<16xi32>, vector<16xi32>], vector<16xf32>,
      %add3A_162 = arith.addf %gather3A, %gather3A_161 : vector<16xf32>
      %add3A_163 = arith.addf %add3A_162, %get3A_3 : vector<16xf32>
      %neg3A = arith.constant 0.000000e+00 : f32
      %neg3A_164 = vector.broadcast %neg3A : f32 to vector<16xf32>
      %neg3A_165 = arith.subf %neg3A_164, %add3A_163 : vector<16xf32>
      %exp3A = math.exp %neg3A_165 : vector<16xf32>
      %add3A_166 = arith.constant 1.000000e+00 : f32
      %add3A_167 = vector.broadcast %add3A_166 : f32 to vector<16xf32>
      %add3A_168 = arith.addf %add3A_167, %exp3A : vector<16xf32>
      %div3A = arith.constant 1.000000e+00 : f32
      %div3A_169 = vector.broadcast %div3A : f32 to vector<16xf32>
      %div3A_170 = arith.divf %div3A_169, %add3A_168 : vector<16xf32>
      %mul3A_171 = arith.constant 16 : i32
      %mul3A_172 = arith.muli %scan3A_143, %mul3A_171 : i32
      %add3A_173 = arith.constant 128 : i32
      %add3A_174 = arith.addi %add3A_173, %mul3A_172 : i32
      %swap3A = arith.index_cast %add3A_174 : i32 to index
      %swap3A_175 = tpu.vector_load %arg17[%swap3A] {strides = array<i32>} : memref<512xf32, #tpu.memory_space<vmem>>, vector<16xf32>,
      tpu.vector_store %arg17[%swap3A], %div3A_170 {strides = array<i32>} : memref<512xf32, #tpu.memory_space<vmem>>, vector<16xf32>,
      %scan3A_176 = arith.constant 0 : i32
      scf.yield %scan3A_176 : i32
    }
    %scan3A_70 = arith.constant 8 : i32
    %dma_start3A_71 = arith.constant 2 : i32
    %dma_start3A_72 = arith.constant 0 : i32
    %dma_start3A_73 = tpu.memref_slice %arg10[%dma_start3A_71, %dma_start3A_72] : memref<4x128xi32, #tpu.memory_space<vmem>> -> memref<1x128xi32, #tpu.memory_space<vmem>>
    %dma_start3A_74 = tpu.memref_squeeze %dma_start3A_73 : memref<1x128xi32, #tpu.memory_space<vmem>> -> memref<128xi32, #tpu.memory_space<vmem>>
    %dma_start3A_75 = arith.constant 0 : i32
    %dma_start3A_76 = arith.constant 0 : i32
    %dma_start3A_77 = tpu.memref_slice %arg6[%dma_start3A_75, %dma_start3A_76] : memref<7936x128xf32, #tpu.memory_space<hbm>> -> memref<7936x128xf32, #tpu.memory_space<hbm>>
    tpu.enqueue_indirect_dma source(%dma_start3A_77 : memref<7936x128xf32, #tpu.memory_space<hbm>>) target(%arg14 : memref<128x128xf32, #tpu.memory_space<vmem>>) offsets(%dma_start3A_74 : memref<128xi32, #tpu.memory_space<vmem>>) semaphore(%arg18 : memref<!tpu.dma_semaphore, #tpu.memory_space<semaphore_mem>>)
    %dma_start3A_78 = arith.constant 2 : i32
    %dma_start3A_79 = arith.constant 0 : i32
    %dma_start3A_80 = tpu.memref_slice %arg12[%dma_start3A_78, %dma_start3A_79] : memref<4x128xi32, #tpu.memory_space<vmem>> -> memref<1x128xi32, #tpu.memory_space<vmem>>
    %dma_start3A_81 = tpu.memref_squeeze %dma_start3A_80 : memref<1x128xi32, #tpu.memory_space<vmem>> -> memref<128xi32, #tpu.memory_space<vmem>>
    %dma_start3A_82 = arith.constant 0 : i32
    %dma_start3A_83 = arith.constant 0 : i32
    %dma_start3A_84 = tpu.memref_slice %arg7[%dma_start3A_82, %dma_start3A_83] : memref<1024x128xf32, #tpu.memory_space<hbm>> -> memref<1024x128xf32, #tpu.memory_space<hbm>>
    tpu.enqueue_indirect_dma source(%dma_start3A_84 : memref<1024x128xf32, #tpu.memory_space<hbm>>) target(%arg15 : memref<128x128xf32, #tpu.memory_space<vmem>>) offsets(%dma_start3A_81 : memref<128xi32, #tpu.memory_space<vmem>>) semaphore(%arg19 : memref<!tpu.dma_semaphore, #tpu.memory_space<semaphore_mem>>)
    %dma_wait3A_85 = arith.constant 2 : i32
    %dma_wait3A_86 = arith.constant 0 : i32
    %dma_wait3A_87 = tpu.memref_slice %arg10[%dma_wait3A_85, %dma_wait3A_86] : memref<4x128xi32, #tpu.memory_space<vmem>> -> memref<1x128xi32, #tpu.memory_space<vmem>>
    %dma_wait3A_88 = tpu.memref_squeeze %dma_wait3A_87 : memref<1x128xi32, #tpu.memory_space<vmem>> -> memref<128xi32, #tpu.memory_space<vmem>>
    %dma_wait3A_89 = arith.constant 0 : i32
    %dma_wait3A_90 = arith.constant 0 : i32
    %dma_wait3A_91 = tpu.memref_slice %arg6[%dma_wait3A_89, %dma_wait3A_90] : memref<7936x128xf32, #tpu.memory_space<hbm>> -> memref<7936x128xf32, #tpu.memory_space<hbm>>
    tpu.wait_indirect_dma semaphore(%arg18 : memref<!tpu.dma_semaphore, #tpu.memory_space<semaphore_mem>>) src(%dma_wait3A_91 : memref<7936x128xf32, #tpu.memory_space<hbm>>) dst(%arg14 : memref<128x128xf32, #tpu.memory_space<vmem>>)
    %dma_wait3A_92 = arith.constant 2 : i32
    %dma_wait3A_93 = arith.constant 0 : i32
    %dma_wait3A_94 = tpu.memref_slice %arg12[%dma_wait3A_92, %dma_wait3A_93] : memref<4x128xi32, #tpu.memory_space<vmem>> -> memref<1x128xi32, #tpu.memory_space<vmem>>
    %dma_wait3A_95 = tpu.memref_squeeze %dma_wait3A_94 : memref<1x128xi32, #tpu.memory_space<vmem>> -> memref<128xi32, #tpu.memory_space<vmem>>
    %dma_wait3A_96 = arith.constant 0 : i32
    %dma_wait3A_97 = arith.constant 0 : i32
    %dma_wait3A_98 = tpu.memref_slice %arg7[%dma_wait3A_96, %dma_wait3A_97] : memref<1024x128xf32, #tpu.memory_space<hbm>> -> memref<1024x128xf32, #tpu.memory_space<hbm>>
    tpu.wait_indirect_dma semaphore(%arg19 : memref<!tpu.dma_semaphore, #tpu.memory_space<semaphore_mem>>) src(%dma_wait3A_98 : memref<1024x128xf32, #tpu.memory_space<hbm>>) dst(%arg15 : memref<128x128xf32, #tpu.memory_space<vmem>>)
    %scan3A_99 = arith.constant 0 : i32
    %scan3A_100 = arith.constant 0 : i32
    %scan3A_101 = arith.constant 8 : i32
    %scan3A_102 = arith.addi %scan3A_100, %scan3A_101 : i32
    %scan3A_103 = arith.constant 1 : i32
    %scan3A_104 = scf.for %scan3A_143 = %scan3A_100 to %scan3A_102 step %scan3A_103 iter_args(%scan3A_144 = %scan3A_99) -> (i32)  : i32 {
      %mul3A_145 = arith.constant 16 : i32
      %mul3A_146 = arith.muli %scan3A_143, %mul3A_145 : i32
      %add3A_147 = vector.broadcast %mul3A_146 : i32 to vector<16xi32>
      %add3A_148 = arith.addi %iota3A, %add3A_147 : vector<16xi32>
      %mul3A_149 = arith.constant 16 : i32
      %mul3A_150 = arith.muli %scan3A_143, %mul3A_149 : i32
      %get3A_151 = arith.constant 2 : i32
      %get3A_152 = arith.index_cast %get3A_151 : i32 to index
      %get3A_153 = arith.index_cast %mul3A_150 : i32 to index
      %get3A_154 = tpu.vector_load %arg11[%get3A_152, %get3A_153] {strides = array<i32>} : memref<4x128xi32, #tpu.memory_space<vmem>>, vector<16xi32>,
      %gather3A = tpu.vector_load_idx %arg14[%add3A_148, %get3A_154] : memref<128x128xf32, #tpu.memory_space<vmem>>[vector<16xi32>, vector<16xi32>], vector<16xf32>,
      %mul3A_155 = arith.constant 16 : i32
      %mul3A_156 = arith.muli %scan3A_143, %mul3A_155 : i32
      %get3A_157 = arith.constant 2 : i32
      %get3A_158 = arith.index_cast %get3A_157 : i32 to index
      %get3A_159 = arith.index_cast %mul3A_156 : i32 to index
      %get3A_160 = tpu.vector_load %arg13[%get3A_158, %get3A_159] {strides = array<i32>} : memref<4x128xi32, #tpu.memory_space<vmem>>, vector<16xi32>,
      %gather3A_161 = tpu.vector_load_idx %arg15[%add3A_148, %get3A_160] : memref<128x128xf32, #tpu.memory_space<vmem>>[vector<16xi32>, vector<16xi32>], vector<16xf32>,
      %add3A_162 = arith.addf %gather3A, %gather3A_161 : vector<16xf32>
      %add3A_163 = arith.addf %add3A_162, %get3A_3 : vector<16xf32>
      %neg3A = arith.constant 0.000000e+00 : f32
      %neg3A_164 = vector.broadcast %neg3A : f32 to vector<16xf32>
      %neg3A_165 = arith.subf %neg3A_164, %add3A_163 : vector<16xf32>
      %exp3A = math.exp %neg3A_165 : vector<16xf32>
      %add3A_166 = arith.constant 1.000000e+00 : f32
      %add3A_167 = vector.broadcast %add3A_166 : f32 to vector<16xf32>
      %add3A_168 = arith.addf %add3A_167, %exp3A : vector<16xf32>
      %div3A = arith.constant 1.000000e+00 : f32
      %div3A_169 = vector.broadcast %div3A : f32 to vector<16xf32>
      %div3A_170 = arith.divf %div3A_169, %add3A_168 : vector<16xf32>
      %mul3A_171 = arith.constant 16 : i32
      %mul3A_172 = arith.muli %scan3A_143, %mul3A_171 : i32
      %add3A_173 = arith.constant 256 : i32
      %add3A_174 = arith.addi %add3A_173, %mul3A_172 : i32
      %swap3A = arith.index_cast %add3A_174 : i32 to index
      %swap3A_175 = tpu.vector_load %arg17[%swap3A] {strides = array<i32>} : memref<512xf32, #tpu.memory_space<vmem>>, vector<16xf32>,
      tpu.vector_store %arg17[%swap3A], %div3A_170 {strides = array<i32>} : memref<512xf32, #tpu.memory_space<vmem>>, vector<16xf32>,
      %scan3A_176 = arith.constant 0 : i32
      scf.yield %scan3A_176 : i32
    }
    %scan3A_105 = arith.constant 8 : i32
    %dma_start3A_106 = arith.constant 3 : i32
    %dma_start3A_107 = arith.constant 0 : i32
    %dma_start3A_108 = tpu.memref_slice %arg10[%dma_start3A_106, %dma_start3A_107] : memref<4x128xi32, #tpu.memory_space<vmem>> -> memref<1x128xi32, #tpu.memory_space<vmem>>
    %dma_start3A_109 = tpu.memref_squeeze %dma_start3A_108 : memref<1x128xi32, #tpu.memory_space<vmem>> -> memref<128xi32, #tpu.memory_space<vmem>>
    %dma_start3A_110 = arith.constant 0 : i32
    %dma_start3A_111 = arith.constant 0 : i32
    %dma_start3A_112 = tpu.memref_slice %arg6[%dma_start3A_110, %dma_start3A_111] : memref<7936x128xf32, #tpu.memory_space<hbm>> -> memref<7936x128xf32, #tpu.memory_space<hbm>>
    tpu.enqueue_indirect_dma source(%dma_start3A_112 : memref<7936x128xf32, #tpu.memory_space<hbm>>) target(%arg14 : memref<128x128xf32, #tpu.memory_space<vmem>>) offsets(%dma_start3A_109 : memref<128xi32, #tpu.memory_space<vmem>>) semaphore(%arg18 : memref<!tpu.dma_semaphore, #tpu.memory_space<semaphore_mem>>)
    %dma_start3A_113 = arith.constant 3 : i32
    %dma_start3A_114 = arith.constant 0 : i32
    %dma_start3A_115 = tpu.memref_slice %arg12[%dma_start3A_113, %dma_start3A_114] : memref<4x128xi32, #tpu.memory_space<vmem>> -> memref<1x128xi32, #tpu.memory_space<vmem>>
    %dma_start3A_116 = tpu.memref_squeeze %dma_start3A_115 : memref<1x128xi32, #tpu.memory_space<vmem>> -> memref<128xi32, #tpu.memory_space<vmem>>
    %dma_start3A_117 = arith.constant 0 : i32
    %dma_start3A_118 = arith.constant 0 : i32
    %dma_start3A_119 = tpu.memref_slice %arg7[%dma_start3A_117, %dma_start3A_118] : memref<1024x128xf32, #tpu.memory_space<hbm>> -> memref<1024x128xf32, #tpu.memory_space<hbm>>
    tpu.enqueue_indirect_dma source(%dma_start3A_119 : memref<1024x128xf32, #tpu.memory_space<hbm>>) target(%arg15 : memref<128x128xf32, #tpu.memory_space<vmem>>) offsets(%dma_start3A_116 : memref<128xi32, #tpu.memory_space<vmem>>) semaphore(%arg19 : memref<!tpu.dma_semaphore, #tpu.memory_space<semaphore_mem>>)
    %dma_wait3A_120 = arith.constant 3 : i32
    %dma_wait3A_121 = arith.constant 0 : i32
    %dma_wait3A_122 = tpu.memref_slice %arg10[%dma_wait3A_120, %dma_wait3A_121] : memref<4x128xi32, #tpu.memory_space<vmem>> -> memref<1x128xi32, #tpu.memory_space<vmem>>
    %dma_wait3A_123 = tpu.memref_squeeze %dma_wait3A_122 : memref<1x128xi32, #tpu.memory_space<vmem>> -> memref<128xi32, #tpu.memory_space<vmem>>
    %dma_wait3A_124 = arith.constant 0 : i32
    %dma_wait3A_125 = arith.constant 0 : i32
    %dma_wait3A_126 = tpu.memref_slice %arg6[%dma_wait3A_124, %dma_wait3A_125] : memref<7936x128xf32, #tpu.memory_space<hbm>> -> memref<7936x128xf32, #tpu.memory_space<hbm>>
    tpu.wait_indirect_dma semaphore(%arg18 : memref<!tpu.dma_semaphore, #tpu.memory_space<semaphore_mem>>) src(%dma_wait3A_126 : memref<7936x128xf32, #tpu.memory_space<hbm>>) dst(%arg14 : memref<128x128xf32, #tpu.memory_space<vmem>>)
    %dma_wait3A_127 = arith.constant 3 : i32
    %dma_wait3A_128 = arith.constant 0 : i32
    %dma_wait3A_129 = tpu.memref_slice %arg12[%dma_wait3A_127, %dma_wait3A_128] : memref<4x128xi32, #tpu.memory_space<vmem>> -> memref<1x128xi32, #tpu.memory_space<vmem>>
    %dma_wait3A_130 = tpu.memref_squeeze %dma_wait3A_129 : memref<1x128xi32, #tpu.memory_space<vmem>> -> memref<128xi32, #tpu.memory_space<vmem>>
    %dma_wait3A_131 = arith.constant 0 : i32
    %dma_wait3A_132 = arith.constant 0 : i32
    %dma_wait3A_133 = tpu.memref_slice %arg7[%dma_wait3A_131, %dma_wait3A_132] : memref<1024x128xf32, #tpu.memory_space<hbm>> -> memref<1024x128xf32, #tpu.memory_space<hbm>>
    tpu.wait_indirect_dma semaphore(%arg19 : memref<!tpu.dma_semaphore, #tpu.memory_space<semaphore_mem>>) src(%dma_wait3A_133 : memref<1024x128xf32, #tpu.memory_space<hbm>>) dst(%arg15 : memref<128x128xf32, #tpu.memory_space<vmem>>)
    %scan3A_134 = arith.constant 0 : i32
    %scan3A_135 = arith.constant 0 : i32
    %scan3A_136 = arith.constant 8 : i32
    %scan3A_137 = arith.addi %scan3A_135, %scan3A_136 : i32
    %scan3A_138 = arith.constant 1 : i32
    %scan3A_139 = scf.for %scan3A_143 = %scan3A_135 to %scan3A_137 step %scan3A_138 iter_args(%scan3A_144 = %scan3A_134) -> (i32)  : i32 {
      %mul3A_145 = arith.constant 16 : i32
      %mul3A_146 = arith.muli %scan3A_143, %mul3A_145 : i32
      %add3A_147 = vector.broadcast %mul3A_146 : i32 to vector<16xi32>
      %add3A_148 = arith.addi %iota3A, %add3A_147 : vector<16xi32>
      %mul3A_149 = arith.constant 16 : i32
      %mul3A_150 = arith.muli %scan3A_143, %mul3A_149 : i32
      %get3A_151 = arith.constant 3 : i32
      %get3A_152 = arith.index_cast %get3A_151 : i32 to index
      %get3A_153 = arith.index_cast %mul3A_150 : i32 to index
      %get3A_154 = tpu.vector_load %arg11[%get3A_152, %get3A_153] {strides = array<i32>} : memref<4x128xi32, #tpu.memory_space<vmem>>, vector<16xi32>,
      %gather3A = tpu.vector_load_idx %arg14[%add3A_148, %get3A_154] : memref<128x128xf32, #tpu.memory_space<vmem>>[vector<16xi32>, vector<16xi32>], vector<16xf32>,
      %mul3A_155 = arith.constant 16 : i32
      %mul3A_156 = arith.muli %scan3A_143, %mul3A_155 : i32
      %get3A_157 = arith.constant 3 : i32
      %get3A_158 = arith.index_cast %get3A_157 : i32 to index
      %get3A_159 = arith.index_cast %mul3A_156 : i32 to index
      %get3A_160 = tpu.vector_load %arg13[%get3A_158, %get3A_159] {strides = array<i32>} : memref<4x128xi32, #tpu.memory_space<vmem>>, vector<16xi32>,
      %gather3A_161 = tpu.vector_load_idx %arg15[%add3A_148, %get3A_160] : memref<128x128xf32, #tpu.memory_space<vmem>>[vector<16xi32>, vector<16xi32>], vector<16xf32>,
      %add3A_162 = arith.addf %gather3A, %gather3A_161 : vector<16xf32>
      %add3A_163 = arith.addf %add3A_162, %get3A_3 : vector<16xf32>
      %neg3A = arith.constant 0.000000e+00 : f32
      %neg3A_164 = vector.broadcast %neg3A : f32 to vector<16xf32>
      %neg3A_165 = arith.subf %neg3A_164, %add3A_163 : vector<16xf32>
      %exp3A = math.exp %neg3A_165 : vector<16xf32>
      %add3A_166 = arith.constant 1.000000e+00 : f32
      %add3A_167 = vector.broadcast %add3A_166 : f32 to vector<16xf32>
      %add3A_168 = arith.addf %add3A_167, %exp3A : vector<16xf32>
      %div3A = arith.constant 1.000000e+00 : f32
      %div3A_169 = vector.broadcast %div3A : f32 to vector<16xf32>
      %div3A_170 = arith.divf %div3A_169, %add3A_168 : vector<16xf32>
      %mul3A_171 = arith.constant 16 : i32
      %mul3A_172 = arith.muli %scan3A_143, %mul3A_171 : i32
      %add3A_173 = arith.constant 384 : i32
      %add3A_174 = arith.addi %add3A_173, %mul3A_172 : i32
      %swap3A = arith.index_cast %add3A_174 : i32 to index
      %swap3A_175 = tpu.vector_load %arg17[%swap3A] {strides = array<i32>} : memref<512xf32, #tpu.memory_space<vmem>>, vector<16xf32>,
      tpu.vector_store %arg17[%swap3A], %div3A_170 {strides = array<i32>} : memref<512xf32, #tpu.memory_space<vmem>>, vector<16xf32>,
      %scan3A_176 = arith.constant 0 : i32
      scf.yield %scan3A_176 : i32
    }
    %scan3A_140 = arith.constant 8 : i32
    %mul3A_141 = arith.constant 512 : i32
    %mul3A_142 = arith.muli %add3A, %mul3A_141 : i32
    "tpu.region"() ({
      %run_scoped3A = tpu.sem_alloc : memref<!tpu.dma_semaphore, #tpu.memory_space<semaphore_mem>>
      %dma_start3A_143 = tpu.memref_slice %arg9[%mul3A_142] : memref<16384xf32, #tpu.memory_space<hbm>> -> memref<512xf32, #tpu.memory_space<hbm>>
      %dma_start3A_144 = tpu.memref_slice %arg9[%mul3A_142] : memref<16384xf32, #tpu.memory_space<hbm>> -> memref<512xf32, #tpu.memory_space<hbm>>
      tpu.enqueue_dma source(%arg17 : memref<512xf32, #tpu.memory_space<vmem>>) target(%dma_start3A_144 : memref<512xf32, #tpu.memory_space<hbm>>) target_semaphore(%run_scoped3A : memref<!tpu.dma_semaphore, #tpu.memory_space<semaphore_mem>>)
      %dma_wait3A_145 = tpu.memref_slice %arg9[%mul3A_142] : memref<16384xf32, #tpu.memory_space<hbm>> -> memref<512xf32, #tpu.memory_space<hbm>>
      %dma_wait3A_146 = tpu.memref_slice %arg9[%mul3A_142] : memref<16384xf32, #tpu.memory_space<hbm>> -> memref<512xf32, #tpu.memory_space<hbm>>
      tpu.wait_dma2 semaphore(%run_scoped3A : memref<!tpu.dma_semaphore, #tpu.memory_space<semaphore_mem>>) src(%arg17 : memref<512xf32, #tpu.memory_space<vmem>>) dst(%dma_wait3A_146 : memref<512xf32, #tpu.memory_space<hbm>>)
      tpu.yield
    }) : () -> ()
    return
  }
}

module attributes {stable_mosaic.version = 14 : i64} {
  func.func @_score_kernel(%arg0: i32, %arg1: memref<1x64xf32, #tpu.memory_space<vmem>>, %arg2: memref<8192x64xf32, #tpu.memory_space<vmem>>, %arg3: memref<8192x64xf32, #tpu.memory_space<vmem>>, %arg4: memref<8192x64xf32, #tpu.memory_space<vmem>>, %arg5: memref<8192x64xf32, #tpu.memory_space<vmem>>, %arg6: memref<1x1x8192xf32, #tpu.memory_space<vmem>>, %arg7: memref<1x1x8192xf32, #tpu.memory_space<vmem>>, %arg8: memref<1x1x8192xf32, #tpu.memory_space<vmem>>, %arg9: memref<1x1x8192xf32, #tpu.memory_space<vmem>>) attributes {dimension_semantics = [#tpu.dimension_semantics<arbitrary>], iteration_bounds = array<i64: 31>, scalar_prefetch = 0 : i64, scratch_operands = 0 : i64, tpu.core_type = #tpu.core_type<tc>, window_params = [{pipeline_mode = #tpu.pipeline_mode<synchronous>, transform_indices = @transform_0, window_bounds = array<i64: 1, 64>}, {transform_indices = @transform_1, window_bounds = array<i64: 8192, 64>}, {transform_indices = @transform_2, window_bounds = array<i64: 8192, 64>}, {transform_indices = @transform_3, window_bounds = array<i64: 8192, 64>}, {transform_indices = @transform_4, window_bounds = array<i64: 8192, 64>}, {transform_indices = @transform_5, window_bounds = array<i64: 1, 1, 8192>}, {transform_indices = @transform_6, window_bounds = array<i64: 1, 1, 8192>}, {transform_indices = @transform_7, window_bounds = array<i64: 1, 1, 8192>}, {transform_indices = @transform_8, window_bounds = array<i64: 1, 1, 8192>}]} {
    %get3A = arith.constant 0 : index
    %get3A_0 = arith.constant 0 : index
    %get3A_1 = vector.load %arg1[%get3A, %get3A_0] : memref<1x64xf32, #tpu.memory_space<vmem>>, vector<1x64xf32>
    %get3A_2 = arith.constant 0 : index
    %get3A_3 = arith.constant 0 : index
    %get3A_4 = vector.load %arg2[%get3A_2, %get3A_3] : memref<8192x64xf32, #tpu.memory_space<vmem>>, vector<8192x64xf32>
    %dot_general3A = arith.constant dense<0.000000e+00> : vector<1x8192xf32>
    %dot_general3A_5 = tpu.matmul %get3A_1, %get3A_4, %dot_general3A {dimension_numbers = #tpu.dot_dimension_numbers<[1], [1], [0], [0], [0, 0, 1, 0], [], []>, transpose_lhs_hint = false} : vector<1x64xf32>, vector<8192x64xf32>, vector<1x8192xf32> -> vector<1x8192xf32>
    %broadcast_in_dim3A = vector.shape_cast %dot_general3A_5 : vector<1x8192xf32> to vector<1x1x8192xf32>
    %swap3A = arith.constant 0 : index
    %swap3A_6 = arith.constant 0 : index
    %swap3A_7 = arith.constant 0 : index
    %swap3A_8 = vector.load %arg6[%swap3A, %swap3A_6, %swap3A_7] : memref<1x1x8192xf32, #tpu.memory_space<vmem>>, vector<1x1x8192xf32>
    tpu.vector_store %arg6[%swap3A, %swap3A_6, %swap3A_7], %broadcast_in_dim3A {strides = array<i32>} : memref<1x1x8192xf32, #tpu.memory_space<vmem>>, vector<1x1x8192xf32>,
    %get3A_9 = arith.constant 0 : index
    %get3A_10 = arith.constant 0 : index
    %get3A_11 = vector.load %arg1[%get3A_9, %get3A_10] : memref<1x64xf32, #tpu.memory_space<vmem>>, vector<1x64xf32>
    %get3A_12 = arith.constant 0 : index
    %get3A_13 = arith.constant 0 : index
    %get3A_14 = vector.load %arg3[%get3A_12, %get3A_13] : memref<8192x64xf32, #tpu.memory_space<vmem>>, vector<8192x64xf32>
    %dot_general3A_15 = arith.constant dense<0.000000e+00> : vector<1x8192xf32>
    %dot_general3A_16 = tpu.matmul %get3A_11, %get3A_14, %dot_general3A_15 {dimension_numbers = #tpu.dot_dimension_numbers<[1], [1], [0], [0], [0, 0, 1, 0], [], []>, transpose_lhs_hint = false} : vector<1x64xf32>, vector<8192x64xf32>, vector<1x8192xf32> -> vector<1x8192xf32>
    %broadcast_in_dim3A_17 = vector.shape_cast %dot_general3A_16 : vector<1x8192xf32> to vector<1x1x8192xf32>
    %swap3A_18 = arith.constant 0 : index
    %swap3A_19 = arith.constant 0 : index
    %swap3A_20 = arith.constant 0 : index
    %swap3A_21 = vector.load %arg7[%swap3A_18, %swap3A_19, %swap3A_20] : memref<1x1x8192xf32, #tpu.memory_space<vmem>>, vector<1x1x8192xf32>
    tpu.vector_store %arg7[%swap3A_18, %swap3A_19, %swap3A_20], %broadcast_in_dim3A_17 {strides = array<i32>} : memref<1x1x8192xf32, #tpu.memory_space<vmem>>, vector<1x1x8192xf32>,
    %get3A_22 = arith.constant 0 : index
    %get3A_23 = arith.constant 0 : index
    %get3A_24 = vector.load %arg1[%get3A_22, %get3A_23] : memref<1x64xf32, #tpu.memory_space<vmem>>, vector<1x64xf32>
    %get3A_25 = arith.constant 0 : index
    %get3A_26 = arith.constant 0 : index
    %get3A_27 = vector.load %arg4[%get3A_25, %get3A_26] : memref<8192x64xf32, #tpu.memory_space<vmem>>, vector<8192x64xf32>
    %dot_general3A_28 = arith.constant dense<0.000000e+00> : vector<1x8192xf32>
    %dot_general3A_29 = tpu.matmul %get3A_24, %get3A_27, %dot_general3A_28 {dimension_numbers = #tpu.dot_dimension_numbers<[1], [1], [0], [0], [0, 0, 1, 0], [], []>, transpose_lhs_hint = false} : vector<1x64xf32>, vector<8192x64xf32>, vector<1x8192xf32> -> vector<1x8192xf32>
    %broadcast_in_dim3A_30 = vector.shape_cast %dot_general3A_29 : vector<1x8192xf32> to vector<1x1x8192xf32>
    %swap3A_31 = arith.constant 0 : index
    %swap3A_32 = arith.constant 0 : index
    %swap3A_33 = arith.constant 0 : index
    %swap3A_34 = vector.load %arg8[%swap3A_31, %swap3A_32, %swap3A_33] : memref<1x1x8192xf32, #tpu.memory_space<vmem>>, vector<1x1x8192xf32>
    tpu.vector_store %arg8[%swap3A_31, %swap3A_32, %swap3A_33], %broadcast_in_dim3A_30 {strides = array<i32>} : memref<1x1x8192xf32, #tpu.memory_space<vmem>>, vector<1x1x8192xf32>,
    %get3A_35 = arith.constant 0 : index
    %get3A_36 = arith.constant 0 : index
    %get3A_37 = vector.load %arg1[%get3A_35, %get3A_36] : memref<1x64xf32, #tpu.memory_space<vmem>>, vector<1x64xf32>
    %get3A_38 = arith.constant 0 : index
    %get3A_39 = arith.constant 0 : index
    %get3A_40 = vector.load %arg5[%get3A_38, %get3A_39] : memref<8192x64xf32, #tpu.memory_space<vmem>>, vector<8192x64xf32>
    %dot_general3A_41 = arith.constant dense<0.000000e+00> : vector<1x8192xf32>
    %dot_general3A_42 = tpu.matmul %get3A_37, %get3A_40, %dot_general3A_41 {dimension_numbers = #tpu.dot_dimension_numbers<[1], [1], [0], [0], [0, 0, 1, 0], [], []>, transpose_lhs_hint = false} : vector<1x64xf32>, vector<8192x64xf32>, vector<1x8192xf32> -> vector<1x8192xf32>
    %broadcast_in_dim3A_43 = vector.shape_cast %dot_general3A_42 : vector<1x8192xf32> to vector<1x1x8192xf32>
    %swap3A_44 = arith.constant 0 : index
    %swap3A_45 = arith.constant 0 : index
    %swap3A_46 = arith.constant 0 : index
    %swap3A_47 = vector.load %arg9[%swap3A_44, %swap3A_45, %swap3A_46] : memref<1x1x8192xf32, #tpu.memory_space<vmem>>, vector<1x1x8192xf32>
    tpu.vector_store %arg9[%swap3A_44, %swap3A_45, %swap3A_46], %broadcast_in_dim3A_43 {strides = array<i32>} : memref<1x1x8192xf32, #tpu.memory_space<vmem>>, vector<1x1x8192xf32>,
    return
  }
  func.func @transform_0(%arg0: i32) -> (i32, i32) {
    %c0_i32 = arith.constant 0 : i32
    %c0_i32_0 = arith.constant 0 : i32
    %c0_i32_1 = arith.constant 0 : i32
    return %c0_i32, %c0_i32_0 : i32, i32
  }
  func.func @transform_1(%arg0: i32) -> (i32, i32) {
    %mul3A = arith.constant 4 : i32
    %mul3A_0 = arith.muli %mul3A, %arg0 : i32
    %add3A = arith.constant 0 : i32
    %add3A_1 = arith.addi %mul3A_0, %add3A : i32
    %min3A = arith.constant 122 : i32
    %min3A_2 = arith.minsi %add3A_1, %min3A : i32
    %c0_i32 = arith.constant 0 : i32
    %c0_i32_3 = arith.constant 0 : i32
    return %min3A_2, %c0_i32 : i32, i32
  }
  func.func @transform_2(%arg0: i32) -> (i32, i32) {
    %mul3A = arith.constant 4 : i32
    %mul3A_0 = arith.muli %mul3A, %arg0 : i32
    %add3A = arith.constant 1 : i32
    %add3A_1 = arith.addi %mul3A_0, %add3A : i32
    %min3A = arith.constant 122 : i32
    %min3A_2 = arith.minsi %add3A_1, %min3A : i32
    %c0_i32 = arith.constant 0 : i32
    %c0_i32_3 = arith.constant 0 : i32
    return %min3A_2, %c0_i32 : i32, i32
  }
  func.func @transform_3(%arg0: i32) -> (i32, i32) {
    %mul3A = arith.constant 4 : i32
    %mul3A_0 = arith.muli %mul3A, %arg0 : i32
    %add3A = arith.constant 2 : i32
    %add3A_1 = arith.addi %mul3A_0, %add3A : i32
    %min3A = arith.constant 122 : i32
    %min3A_2 = arith.minsi %add3A_1, %min3A : i32
    %c0_i32 = arith.constant 0 : i32
    %c0_i32_3 = arith.constant 0 : i32
    return %min3A_2, %c0_i32 : i32, i32
  }
  func.func @transform_4(%arg0: i32) -> (i32, i32) {
    %mul3A = arith.constant 4 : i32
    %mul3A_0 = arith.muli %mul3A, %arg0 : i32
    %add3A = arith.constant 3 : i32
    %add3A_1 = arith.addi %mul3A_0, %add3A : i32
    %min3A = arith.constant 122 : i32
    %min3A_2 = arith.minsi %add3A_1, %min3A : i32
    %c0_i32 = arith.constant 0 : i32
    %c0_i32_3 = arith.constant 0 : i32
    return %min3A_2, %c0_i32 : i32, i32
  }
  func.func @transform_5(%arg0: i32) -> (i32, i32, i32) {
    %c0_i32 = arith.constant 0 : i32
    %c0_i32_0 = arith.constant 0 : i32
    %c0_i32_1 = arith.constant 0 : i32
    return %arg0, %c0_i32, %c0_i32_0 : i32, i32, i32
  }
  func.func @transform_6(%arg0: i32) -> (i32, i32, i32) {
    %c0_i32 = arith.constant 0 : i32
    %c0_i32_0 = arith.constant 0 : i32
    %c0_i32_1 = arith.constant 0 : i32
    return %arg0, %c0_i32, %c0_i32_0 : i32, i32, i32
  }
  func.func @transform_7(%arg0: i32) -> (i32, i32, i32) {
    %c0_i32 = arith.constant 0 : i32
    %c0_i32_0 = arith.constant 0 : i32
    %c0_i32_1 = arith.constant 0 : i32
    return %arg0, %c0_i32, %c0_i32_0 : i32, i32, i32
  }
  func.func @transform_8(%arg0: i32) -> (i32, i32, i32) {
    %c0_i32 = arith.constant 0 : i32
    %c0_i32_0 = arith.constant 0 : i32
    %c0_i32_1 = arith.constant 0 : i32
    return %arg0, %c0_i32, %c0_i32_0 : i32, i32, i32
  }
}

module attributes {stable_mosaic.version = 14 : i64} {
  func.func @_score_kernel(%arg0: i32, %arg1: memref<1x64xf32, #tpu.memory_space<vmem>>, %arg2: memref<8192x64xf32, #tpu.memory_space<vmem>>, %arg3: memref<8192x64xf32, #tpu.memory_space<vmem>>, %arg4: memref<8192x64xf32, #tpu.memory_space<vmem>>, %arg5: memref<8192x64xf32, #tpu.memory_space<vmem>>, %arg6: memref<1x1x8192xf32, #tpu.memory_space<vmem>>, %arg7: memref<1x1x8192xf32, #tpu.memory_space<vmem>>, %arg8: memref<1x1x8192xf32, #tpu.memory_space<vmem>>, %arg9: memref<1x1x8192xf32, #tpu.memory_space<vmem>>) attributes {dimension_semantics = [#tpu.dimension_semantics<arbitrary>], iteration_bounds = array<i64: 4>, scalar_prefetch = 0 : i64, scratch_operands = 0 : i64, tpu.core_type = #tpu.core_type<tc>, window_params = [{pipeline_mode = #tpu.pipeline_mode<synchronous>, transform_indices = @transform_0, window_bounds = array<i64: 1, 64>}, {transform_indices = @transform_1, window_bounds = array<i64: 8192, 64>}, {transform_indices = @transform_2, window_bounds = array<i64: 8192, 64>}, {transform_indices = @transform_3, window_bounds = array<i64: 8192, 64>}, {transform_indices = @transform_4, window_bounds = array<i64: 8192, 64>}, {transform_indices = @transform_5, window_bounds = array<i64: 1, 1, 8192>}, {transform_indices = @transform_6, window_bounds = array<i64: 1, 1, 8192>}, {transform_indices = @transform_7, window_bounds = array<i64: 1, 1, 8192>}, {transform_indices = @transform_8, window_bounds = array<i64: 1, 1, 8192>}]} {
    %get3A = arith.constant 0 : index
    %get3A_0 = arith.constant 0 : index
    %get3A_1 = vector.load %arg1[%get3A, %get3A_0] : memref<1x64xf32, #tpu.memory_space<vmem>>, vector<1x64xf32>
    %get3A_2 = arith.constant 0 : index
    %get3A_3 = arith.constant 0 : index
    %get3A_4 = vector.load %arg2[%get3A_2, %get3A_3] : memref<8192x64xf32, #tpu.memory_space<vmem>>, vector<8192x64xf32>
    %dot_general3A = arith.constant dense<0.000000e+00> : vector<1x8192xf32>
    %dot_general3A_5 = tpu.matmul %get3A_1, %get3A_4, %dot_general3A {dimension_numbers = #tpu.dot_dimension_numbers<[1], [1], [0], [0], [0, 0, 1, 0], [], []>, transpose_lhs_hint = false} : vector<1x64xf32>, vector<8192x64xf32>, vector<1x8192xf32> -> vector<1x8192xf32>
    %broadcast_in_dim3A = vector.shape_cast %dot_general3A_5 : vector<1x8192xf32> to vector<1x1x8192xf32>
    %swap3A = arith.constant 0 : index
    %swap3A_6 = arith.constant 0 : index
    %swap3A_7 = arith.constant 0 : index
    %swap3A_8 = vector.load %arg6[%swap3A, %swap3A_6, %swap3A_7] : memref<1x1x8192xf32, #tpu.memory_space<vmem>>, vector<1x1x8192xf32>
    tpu.vector_store %arg6[%swap3A, %swap3A_6, %swap3A_7], %broadcast_in_dim3A {strides = array<i32>} : memref<1x1x8192xf32, #tpu.memory_space<vmem>>, vector<1x1x8192xf32>,
    %get3A_9 = arith.constant 0 : index
    %get3A_10 = arith.constant 0 : index
    %get3A_11 = vector.load %arg1[%get3A_9, %get3A_10] : memref<1x64xf32, #tpu.memory_space<vmem>>, vector<1x64xf32>
    %get3A_12 = arith.constant 0 : index
    %get3A_13 = arith.constant 0 : index
    %get3A_14 = vector.load %arg3[%get3A_12, %get3A_13] : memref<8192x64xf32, #tpu.memory_space<vmem>>, vector<8192x64xf32>
    %dot_general3A_15 = arith.constant dense<0.000000e+00> : vector<1x8192xf32>
    %dot_general3A_16 = tpu.matmul %get3A_11, %get3A_14, %dot_general3A_15 {dimension_numbers = #tpu.dot_dimension_numbers<[1], [1], [0], [0], [0, 0, 1, 0], [], []>, transpose_lhs_hint = false} : vector<1x64xf32>, vector<8192x64xf32>, vector<1x8192xf32> -> vector<1x8192xf32>
    %broadcast_in_dim3A_17 = vector.shape_cast %dot_general3A_16 : vector<1x8192xf32> to vector<1x1x8192xf32>
    %swap3A_18 = arith.constant 0 : index
    %swap3A_19 = arith.constant 0 : index
    %swap3A_20 = arith.constant 0 : index
    %swap3A_21 = vector.load %arg7[%swap3A_18, %swap3A_19, %swap3A_20] : memref<1x1x8192xf32, #tpu.memory_space<vmem>>, vector<1x1x8192xf32>
    tpu.vector_store %arg7[%swap3A_18, %swap3A_19, %swap3A_20], %broadcast_in_dim3A_17 {strides = array<i32>} : memref<1x1x8192xf32, #tpu.memory_space<vmem>>, vector<1x1x8192xf32>,
    %get3A_22 = arith.constant 0 : index
    %get3A_23 = arith.constant 0 : index
    %get3A_24 = vector.load %arg1[%get3A_22, %get3A_23] : memref<1x64xf32, #tpu.memory_space<vmem>>, vector<1x64xf32>
    %get3A_25 = arith.constant 0 : index
    %get3A_26 = arith.constant 0 : index
    %get3A_27 = vector.load %arg4[%get3A_25, %get3A_26] : memref<8192x64xf32, #tpu.memory_space<vmem>>, vector<8192x64xf32>
    %dot_general3A_28 = arith.constant dense<0.000000e+00> : vector<1x8192xf32>
    %dot_general3A_29 = tpu.matmul %get3A_24, %get3A_27, %dot_general3A_28 {dimension_numbers = #tpu.dot_dimension_numbers<[1], [1], [0], [0], [0, 0, 1, 0], [], []>, transpose_lhs_hint = false} : vector<1x64xf32>, vector<8192x64xf32>, vector<1x8192xf32> -> vector<1x8192xf32>
    %broadcast_in_dim3A_30 = vector.shape_cast %dot_general3A_29 : vector<1x8192xf32> to vector<1x1x8192xf32>
    %swap3A_31 = arith.constant 0 : index
    %swap3A_32 = arith.constant 0 : index
    %swap3A_33 = arith.constant 0 : index
    %swap3A_34 = vector.load %arg8[%swap3A_31, %swap3A_32, %swap3A_33] : memref<1x1x8192xf32, #tpu.memory_space<vmem>>, vector<1x1x8192xf32>
    tpu.vector_store %arg8[%swap3A_31, %swap3A_32, %swap3A_33], %broadcast_in_dim3A_30 {strides = array<i32>} : memref<1x1x8192xf32, #tpu.memory_space<vmem>>, vector<1x1x8192xf32>,
    %get3A_35 = arith.constant 0 : index
    %get3A_36 = arith.constant 0 : index
    %get3A_37 = vector.load %arg1[%get3A_35, %get3A_36] : memref<1x64xf32, #tpu.memory_space<vmem>>, vector<1x64xf32>
    %get3A_38 = arith.constant 0 : index
    %get3A_39 = arith.constant 0 : index
    %get3A_40 = vector.load %arg5[%get3A_38, %get3A_39] : memref<8192x64xf32, #tpu.memory_space<vmem>>, vector<8192x64xf32>
    %dot_general3A_41 = arith.constant dense<0.000000e+00> : vector<1x8192xf32>
    %dot_general3A_42 = tpu.matmul %get3A_37, %get3A_40, %dot_general3A_41 {dimension_numbers = #tpu.dot_dimension_numbers<[1], [1], [0], [0], [0, 0, 1, 0], [], []>, transpose_lhs_hint = false} : vector<1x64xf32>, vector<8192x64xf32>, vector<1x8192xf32> -> vector<1x8192xf32>
    %broadcast_in_dim3A_43 = vector.shape_cast %dot_general3A_42 : vector<1x8192xf32> to vector<1x1x8192xf32>
    %swap3A_44 = arith.constant 0 : index
    %swap3A_45 = arith.constant 0 : index
    %swap3A_46 = arith.constant 0 : index
    %swap3A_47 = vector.load %arg9[%swap3A_44, %swap3A_45, %swap3A_46] : memref<1x1x8192xf32, #tpu.memory_space<vmem>>, vector<1x1x8192xf32>
    tpu.vector_store %arg9[%swap3A_44, %swap3A_45, %swap3A_46], %broadcast_in_dim3A_43 {strides = array<i32>} : memref<1x1x8192xf32, #tpu.memory_space<vmem>>, vector<1x1x8192xf32>,
    return
  }
  func.func @transform_0(%arg0: i32) -> (i32, i32) {
    %c0_i32 = arith.constant 0 : i32
    %c0_i32_0 = arith.constant 0 : i32
    %c0_i32_1 = arith.constant 0 : i32
    return %c0_i32, %c0_i32_0 : i32, i32
  }
  func.func @transform_1(%arg0: i32) -> (i32, i32) {
    %mul3A = arith.constant 4 : i32
    %mul3A_0 = arith.muli %mul3A, %arg0 : i32
    %add3A = arith.constant 0 : i32
    %add3A_1 = arith.addi %mul3A_0, %add3A : i32
    %min3A = arith.constant 12 : i32
    %min3A_2 = arith.minsi %add3A_1, %min3A : i32
    %c0_i32 = arith.constant 0 : i32
    %c0_i32_3 = arith.constant 0 : i32
    return %min3A_2, %c0_i32 : i32, i32
  }
  func.func @transform_2(%arg0: i32) -> (i32, i32) {
    %mul3A = arith.constant 4 : i32
    %mul3A_0 = arith.muli %mul3A, %arg0 : i32
    %add3A = arith.constant 1 : i32
    %add3A_1 = arith.addi %mul3A_0, %add3A : i32
    %min3A = arith.constant 12 : i32
    %min3A_2 = arith.minsi %add3A_1, %min3A : i32
    %c0_i32 = arith.constant 0 : i32
    %c0_i32_3 = arith.constant 0 : i32
    return %min3A_2, %c0_i32 : i32, i32
  }
  func.func @transform_3(%arg0: i32) -> (i32, i32) {
    %mul3A = arith.constant 4 : i32
    %mul3A_0 = arith.muli %mul3A, %arg0 : i32
    %add3A = arith.constant 2 : i32
    %add3A_1 = arith.addi %mul3A_0, %add3A : i32
    %min3A = arith.constant 12 : i32
    %min3A_2 = arith.minsi %add3A_1, %min3A : i32
    %c0_i32 = arith.constant 0 : i32
    %c0_i32_3 = arith.constant 0 : i32
    return %min3A_2, %c0_i32 : i32, i32
  }
  func.func @transform_4(%arg0: i32) -> (i32, i32) {
    %mul3A = arith.constant 4 : i32
    %mul3A_0 = arith.muli %mul3A, %arg0 : i32
    %add3A = arith.constant 3 : i32
    %add3A_1 = arith.addi %mul3A_0, %add3A : i32
    %min3A = arith.constant 12 : i32
    %min3A_2 = arith.minsi %add3A_1, %min3A : i32
    %c0_i32 = arith.constant 0 : i32
    %c0_i32_3 = arith.constant 0 : i32
    return %min3A_2, %c0_i32 : i32, i32
  }
  func.func @transform_5(%arg0: i32) -> (i32, i32, i32) {
    %c0_i32 = arith.constant 0 : i32
    %c0_i32_0 = arith.constant 0 : i32
    %c0_i32_1 = arith.constant 0 : i32
    return %arg0, %c0_i32, %c0_i32_0 : i32, i32, i32
  }
  func.func @transform_6(%arg0: i32) -> (i32, i32, i32) {
    %c0_i32 = arith.constant 0 : i32
    %c0_i32_0 = arith.constant 0 : i32
    %c0_i32_1 = arith.constant 0 : i32
    return %arg0, %c0_i32, %c0_i32_0 : i32, i32, i32
  }
  func.func @transform_7(%arg0: i32) -> (i32, i32, i32) {
    %c0_i32 = arith.constant 0 : i32
    %c0_i32_0 = arith.constant 0 : i32
    %c0_i32_1 = arith.constant 0 : i32
    return %arg0, %c0_i32, %c0_i32_0 : i32, i32, i32
  }
  func.func @transform_8(%arg0: i32) -> (i32, i32, i32) {
    %c0_i32 = arith.constant 0 : i32
    %c0_i32_0 = arith.constant 0 : i32
    %c0_i32_1 = arith.constant 0 : i32
    return %arg0, %c0_i32, %c0_i32_0 : i32, i32, i32
  }
}

</mosaic_0001>

<sc_bundles>
// kernel: kernel.5.cloned.1.call-start
scs
__scs_entry_jumppad:
0x0: {  	(pc) =	sbr.rel $0x88, $3  }
0x1: {  	(tag) =	ssettag $0x0;
	lr =	simm.s32 $0x1  }
0x2: {  	[smem:$0x3F9B] =	sst lr;
	_ =	strace $0xD0000000  }
0x3: {  	_ = 	snop  }
0x4: {  	_ = 	snop  }
0x5: {  	_ = 	snop  }
0x6: {  	_ = 	snop  }
0x7: {  	_ = 	snop  }
__scs_overlays_trampoline_lowered:
0x8: {  	[smem:$0x3FAA] =	sst s0  }
0x9: {  	[smem:$0x3FAB] =	sst s1  }
0xa: {  	[smem:$0x3FAC] =	sst s2  }
0xb: {  	[smem:$0x3FAD] =	sst s3  }
0xc: {  	[smem:$0x3FAE] =	sst s4  }
0xd: {  	[smem:$0x3FAF] =	sst s5  }
0xe: {  	[smem:$0x3FB0] =	sst s6  }
0xf: {  	[smem:$0x3FB1] =	sst s7  }
0x10: {  	[smem:$0x3FB2] =	sst s8  }
0x11: {  	[smem:$0x3FB3] =	sst s9;
	s0 =	simm.s32 @!p0 $0x0  }
0x12: {  	s1 =	sld [smem:$0x3F99];
	s0 =	simm.s32 @p0 $0x1  }
0x13: {  	[smem:$0x3FB4] =	sst s0;
	s0 =	simm.s32 @!p1 $0x0  }
0x14: {  	s2 =	sld [smem:$0x3F98];
	s0 =	simm.s32 @p1 $0x1  }
0x15: {  	[smem:$0x3FB5] =	sst s0;
	s0 =	simm.s32 @!p2 $0x0  }
0x16: {  	s3 =	sld [smem:$0x3FDB];
	s0 =	simm.s32 @p2 $0x1  }
0x17: {  	s4 =	simm.s32 $0x1BF5;
	[smem:$0x3FB7] =	sst s0  }
0x18: {  	s0 =	sld [smem:$0x3F9A];
	_ =	swait.ge [sflag:s4], $0x0  }
0x19: {  	s7 =	sld [smem:$0x3F9B]  }
0x1a: {  	s8 =	sadd.s32 $0xFFFFE003, lr  }
0x1b: {  	s9 =	sadd.s32 $0xFFFFFEF7, lr;
	s5 =	simm.s32 $0xFFFFFFFF;
	p2 =	slt.u32 s8, $0xFFFFF086  }
0x1c: {  	p1 =	slt.u32 s9, $0xF7A;
	s5 =	simm.s32 @!p2 $0x0  }
0x1d: {  	s5 =	simm.s32 @p1 $0x1;
	p0 =	seq.s32 s7, s2  }
0x1e: {  	s7 =	smul.u32 @!p0 $0xF7A, s2;
	p2 =	seq.s32 @!p0 s5, $0x0  }
0x1f: {  	s9 =	smul.u32 $0xF7A, s1;
	s8 =	simm.s32 @!p0 $0x1BF5;
	p2 =	por !p2, p0  }
0x20: {  	[sflag:s8] =	ssyncset.s32 @!p0 $0xFFFFF086;
	s6 =	sadd.s32 @!p0 s3, s7;
	s7 =	simm.s32 @!p0 $0x108  }
0x21: {  	s3 =	sadd.s32 s3, s9;
	s6 =	sadd.s32 @!p0 $0x88, s6;
	s7 =	simm.s32 @p2 $0x1082  }
0x22: {  	[simem:s7], [sflag:s8] =	dma.local @!p0 [hbm:s6], $0xF7A  }
0x23: {  	s9 =	sor.u32 $0xD0000000, s2;
	s6 =	simm.s32 $0x108;
	_ =	swait.ge @!p0 [sflag:s8], $0x0  }
0x24: {  	s3 =	sadd.s32 $0x88, s3;
	s6 =	simm.s32 @!p1 $0x1082;
	[sflag:s4] =	ssyncset.s32 $0xFFFFF086  }
0x25: {  	[simem:s6], [sflag:s4] =	dma.local [hbm:s3], $0xF7A  }
0x26: {  	[smem:$0x3F9B] =	sst s1;
	(tag) =	ssettag s2;
	_ =	strace s9  }
0x27: {  	s1 =	sld [smem:$0x3FAB]  }
0x28: {  	s2 =	sld [smem:$0x3FAC]  }
0x29: {  	s4 =	sld [smem:$0x3FAE]  }
0x2a: {  	p0 =	seq.s32 s5, $0x0;
	s5 =	sld [smem:$0x3FAF]  }
0x2b: {  	s6 =	sld [smem:$0x3FB0]  }
0x2c: {  	s7 =	sld [smem:$0x3FB1]  }
0x2d: {  	s3 =	simm.s32 $0x108;
	s8 =	sld [smem:$0x3FB2]  }
0x2e: {  	s3 =	simm.s32 @!p0 $0x1082;
	s9 =	sld [smem:$0x3FB3]  }
0x2f: {  	lr =	sadd.s32 s0, s3;
	s0 =	sld [smem:$0x3FAA]  }
0x30: {  	s3 =	sld [smem:$0x3FAD]  }
0x31: {  	[smem:$0x3FB6] =	sst s10  }
0x32: {  	s10 =	sld [smem:$0x3FB4];
	_ =	sdelay $0x3  }
0x33: {  	p0 =	seq.s32 s10, $0x1;
	s10 =	sld [smem:$0x3FB6];
	_ =	sdelay $0x3  }
0x34: {  	[smem:$0x3FB6] =	sst s10  }
0x35: {  	s10 =	sld [smem:$0x3FB5];
	_ =	sdelay $0x3  }
0x36: {  	p1 =	seq.s32 s10, $0x1;
	s10 =	sld [smem:$0x3FB6];
	_ =	sdelay $0x3  }
0x37: {  	[smem:$0x3FB6] =	sst s10  }
0x38: {  	s10 =	sld [smem:$0x3FB7]  }
0x39: {  	_ = 	snop;
	(pc) =	sbr.ind lr, $3  }
0x3a: {  	_ = 	snop  }
0x3b: {  	_ = 	snop  }
0x3c: {  	p2 =	seq.s32 s10, $0x1;
	s10 =	sld [smem:$0x3FB6]  }
0x3d: {  	_ =	shalt  }
0x3e: {  	_ =	shalt  }
0x3f: {  	_ =	shalt  }
0x40: {  	_ =	shalt  }
0x41: {  	_ =	shalt  }
0x42: {  	_ =	shalt  }
0x43: {  	_ =	shalt  }
0x44: {  	_ =	shalt  }
0x45: {  	_ =	shalt  }
0x46: {  	_ =	shalt  }
0x47: {  	_ =	shalt  }
0x48: {  	_ =	shalt  }
0x49: {  	_ =	shalt  }
0x4a: {  	_ =	shalt  }
0x4b: {  	_ =	shalt  }
0x4c: {  	_ =	shalt  }
0x4d: {  	_ =	shalt  }
0x4e: {  	_ =	shalt  }
0x4f: {  	_ =	shalt  }
0x50: {  	_ =	shalt  }
0x51: {  	_ =	shalt  }
0x52: {  	_ =	shalt  }
0x53: {  	_ =	shalt  }
0x54: {  	_ =	shalt  }
0x55: {  	_ =	shalt  }
0x56: {  	_ =	shalt  }
0x57: {  	_ =	shalt  }
0x58: {  	_ =	shalt  }
0x59: {  	_ =	shalt  }
0x5a: {  	_ =	shalt  }
0x5b: {  	_ =	shalt  }
0x5c: {  	_ =	shalt  }
0x5d: {  	_ =	shalt  }
0x5e: {  	_ =	shalt  }
0x5f: {  	_ =	shalt  }
0x60: {  	_ =	shalt  }
0x61: {  	_ =	shalt  }
0x62: {  	_ =	shalt  }
0x63: {  	_ =	shalt  }
0x64: {  	_ =	shalt  }
0x65: {  	_ =	shalt  }
0x66: {  	_ =	shalt  }
0x67: {  	_ =	shalt  }
0x68: {  	_ =	shalt  }
0x69: {  	_ =	shalt  }
0x6a: {  	_ =	shalt  }
0x6b: {  	_ =	shalt  }
0x6c: {  	_ =	shalt  }
0x6d: {  	_ =	shalt  }
0x6e: {  	_ =	shalt  }
0x6f: {  	_ =	shalt  }
0x70: {  	_ =	shalt  }
0x71: {  	_ =	shalt  }
0x72: {  	_ =	shalt  }
0x73: {  	_ =	shalt  }
0x74: {  	_ =	shalt  }
0x75: {  	_ =	shalt  }
0x76: {  	_ =	shalt  }
0x77: {  	_ =	shalt  }
0x78: {  	_ =	shalt  }
0x79: {  	_ =	shalt  }
0x7a: {  	_ =	shalt  }
0x7b: {  	_ =	shalt  }
0x7c: {  	_ =	shalt  }
0x7d: {  	_ =	shalt  }
0x7e: {  	_ =	shalt  }
0x7f: {  	_ =	shalt  }
0x80: {  	_ =	shalt  }
0x81: {  	_ =	shalt  }
0x82: {  	_ =	shalt  }
0x83: {  	_ =	shalt  }
0x84: {  	_ =	shalt  }
0x85: {  	_ =	shalt  }
0x86: {  	_ =	shalt  }
0x87: {  	_ =	shalt  }
.Lfunc_end0:
.L_simem_size_0:
called_computation_lowered:
.L_overlay_start_0:
0x88: {  	s2 =	sld [smem:$0x3FD9]  }
0x89: {  	s3 =	sld [smem:$0x3FFE];
	_ =	sdelay $0x1  }
0x8a: {  	s1 =	srdreg.scid  }
0x8b: {  	s0 =	sand.u32 $0x1, s1  }
0x8c: {  	s17 =	sshll.u32 s0, $0xA;
	s2 =	sadd.s32 s3, s2  }
0x8d: {  	s2 =	sadd.s32 s2, s17  }
0x8e: {  	[smem:$0x3FC2] =	sst s2  }
0x8f: {  	_ = 	snop  }
0x90: {  	s2 =	sld [smem:$0x3FD0];
	(tm) =	ssettm $0x1  }
0x91: {  	s18 =	sld [smem:$0x3FFB];
	_ =	sdelay $0x3  }
0x92: {  	_ =	strace s18  }
0x93: {  	s3 =	sld [smem:$0x3FFC];
	_ =	sdelay $0x3  }
0x94: {  	_ =	strace s3  }
0x95: {  	s3 =	sld [smem:$0x3FFD];
	_ =	sdelay $0x3  }
0x96: {  	_ =	strace s3  }
0x97: {  	_ =	strace $0x8FFFFFFF  }
0x98: {  	s19 =	sld [smem:$0x3FDB];
	_ =	sdelay $0x1  }
0x99: {  	s4 =	simm.s32 $_scs_section_size  }
0x9a: {  	s5 =	simm.s32 $_size__tile_overlayer_lowered;
	s6 =	simm.s32 $_tile_overlayer_lowered  }
0x9b: {  	s22 =	simm.s32 $0x1BFF;
	s21 =	sshll.u32 s6, $0x1;
	s3 =	sadd.s32 s4, s19  }
0x9c: {  	s7 =	simm.s32 $0x0;
	s20 =	sshll.u32 s5, $0x1;
	s5 =	sadd.s32 s21, s3  }
0x9d: {  	[timem:s7], [sflag:s22] =	dma.local [hbm:s5], s20  }
0x9e: {  	_ =	swait.ge [sflag:s22], s20  }
0x9f: {  	s4 =	ssub.s32 $0x0, s20;
	[sflag:s22] =	ssyncset.done $0x0  }
0xa0: {  	[sflag:s22] =	ssyncadd.s32 s4;
	_ =	sdelay $0x1  }
0xa1: {  	s23 =	simm.s32 $0x1B8B  }
0xa2: {  	_ =	swait.ge [sflag:s23], $0x1  }
0xa3: {  	[sflag:s23] =	ssyncset.done $0x0  }
0xa4: {  	s25 =	simm.s32 $0x1B8E;
	s24 =	sld [smem:$0x3FFE];
	[sflag:s23] =	ssyncadd.s32 $0xFFFFFFFF  }
0xa5: {  	s26 =	simm.s32 $execute0_lowered;
	[smem:$0x3FD2] =	sst s25  }
0xa6: {  	s5 =	sshll.u32 s26, $0x1;
	_ =	strace $0x80000046;
	[dreg:$0x1] =	wrdreg $0xFFFFFFFF  }
0xa7: {  	s28 =	simm.s32 $_size_execute0_lowered;
	s3 =	sadd.s32 s3, s5;
	[dreg:$0x0] =	wrdreg $0x0  }
0xa8: {  	s5 =	sshll.u32 s28, $0x1;
	[dreg:$0x2] =	wrdreg s3  }
0xa9: {  	[dreg:$0x3] =	wrdreg s5  }
0xaa: {  	[dreg:$0x4] =	wrdreg $0xC0  }
0xab: {  	_ =	task [dreg:s7], $0x5FFFF  }
0xac: {  	[dreg:$0x1] =	wrdreg $0xFFFFFFFF  }
0xad: {  	[dreg:$0x0] =	wrdreg $0x60  }
0xae: {  	[dreg:$0x2] =	wrdreg s24  }
0xaf: {  	[dreg:$0x3] =	wrdreg s2  }
0xb0: {  	[dreg:$0x4] =	wrdreg $0x9  }
0xb1: {  	_ =	task.clear_ibuf [dreg:s7], $0x5FFFF;
	_ =	strace $0x90000046  }
0xb2: {  	s29 =	simm.s32 $0x9;
	_ =	strace $0x80000048  }
0xb3: {  	_ =	swait.ge [sflag:s29], $0x1  }
0xb4: {  	[sflag:s29] =	ssyncadd.s32 $0xFFFFFFFF  }
0xb5: {  	_ =	strace $0x90000048  }
0xb6: {  	_ =	sfence  }
0xb7: {  	s30 =	sld [smem:$0x0];
	_ =	sdelay $0x2  }
0xb8: {  	s31 =	sshll.u32 s1, $0xD;
	s1 =	sshrl.u32 s1, $0x2  }
0xb9: {  	s3 =	sand.u32 $0x4000, s31;
	s1 =	sadd.s32 s1, s30  }
0xba: {  	s0 =	sor.u32 s3, s0;
	s1 =	sshll.u32 s1, $0x11  }
0xbb: {  	s0 =	sor.u32 s1, s0  }
0xbc: {  	s0 =	sadd.s32 $0x8F2B, s0  }
0xbd: {  	[sflag:s0] =	ssyncadd.remote.s32 $0x1  }
0xbe: {  	_ =	sfence.sel $0xFFFF  }
0xbf: {  	[dreg:$0x0] =	wrdreg $0xFFFFFFFF;
	(pc) =	sbr.abs _section_cstart, $3  }
0xc0: {  	[dreg:$0x1] =	wrdreg $0xFFFFFFFF  }
0xc1: {  	_ =	task.clear_ibuf [dreg:s7], $0x2FFFF;
	_ =	strace $0x9FFFFFFF  }
0xc2: {  	(tm) =	ssettm $0x7FFFFFFF  }
0xc3: {  	_ =	shalt  }
tec
execute0_lowered:
.L_overlay_start_1:
0x0: {  	(tag) =	ssettag $0x1  }
0x1: {  	s0 =	rddreg [dreg:$0x0]  }
0x2: {  	s9 =	rddreg [dreg:$0x1]  }
0x3: {  	s2 =	srdreg.scid;
	s1 =	stileid.u32  }
0x4: {  	s13 =	simm.s32 $0x400;
	s14 =	simm.s32 $0x8800;
	s15 =	simm.s32 $0x80  }
0x5: {  	s16 =	simm.s32 $0x800;
	s17 =	simm.s32 $0x4800;
	s18 =	simm.s32 $0x1  }
0x6: {  	s19 =	simm.s32 $0x2;
	s20 =	simm.s32 $0x480;
	s21 =	simm.s32 $0x100  }
0x7: {  	s22 =	simm.s32 $0x500;
	s23 =	simm.s32 $0x180;
	s24 =	simm.s32 $0x580  }
0x8: {  	s25 =	simm.s32 $0x8880;
	s26 =	simm.s32 $0x0;
	s3 =	sand.u32 $0x1, s2  }
0x9: {  	s2 =	simm.s32 $0x0;
	s10 =	sshll.u32 s1, $0x7;
	s5 =	sadd.s32 $0x26400, s0  }
0xa: {  	s11 =	sshll.u32 s3, $0x6;
	[smem:$0x7FF] =	sst s2;
	s6 =	ssub.s32 $0x2, s3  }
0xb: {  	s3 =	sadd.s32 $0x1400, s0;
	s4 =	sor.u32 s11, s10;
	_ =	strace $0x80000047  }
0xc: {  	s7 =	sshrl.u32 s6, $0x1;
	s11 =	sadd.s32 s9, s11;
	s12 =	sadd.s32 s4, s0  }
0xd: {  	s4 =	sadd.s32 $0x20400, s0;
	s31 =	ssub.s32 s6, s7;
	s10 =	sadd.s32 s10, s11  }
0xe: {  	v0 =	vlaneseq.u32;
	s6 =	sadd.s32 $0x25400, s12;
	s7 =	sadd.s32 $0x25C00, s12;
	s8 =	sadd.s32 $0x24C00, s12  }
0xf: {  	v0 =	vmul.u32 $0x80, v0;
	s9 =	sadd.s32 $0x24400, s12;
	s11 =	smax.u32 s31, $0x1;
	s12 =	simm.s32 $0x3  }
.LBB2_1:
0x10: {  	[tilespmem:s2], [sflag:$0x3] =	stream.linear.gather [hbm4b:s6+s2], $0x200, $0x38;
	[tilespmem:$0x8A80] =	vst v63  }
0x11: {  	_ =	swait.ge [sflag:s12], $0x200  }
0x12: {  	[sflag:s12] =	ssyncset.done $0x0  }
0x13: {  	s0 =	simm.s32 $0x200;
	[sflag:s12] =	ssyncadd.s32 $0xFFFFFE00  }
0x14: {  	[tilespmem:s0], [sflag:$0x3] =	stream.linear.gather [hbm4b:s7+s2], $0x200, $0x38;
	[tilespmem:$0x8A80] =	vst v63  }
0x15: {  	_ =	swait.ge [sflag:s12], $0x200  }
0x16: {  	[sflag:s12] =	ssyncset.done $0x0  }
0x17: {  	[sflag:s12] =	ssyncadd.s32 $0xFFFFFE00  }
0x18: {  	[tilespmem:s13], [sflag:$0x3] =	stream.linear.gather [hbm4b:s8+s2], $0x200, $0x38;
	[tilespmem:$0x8A80] =	vst v63  }
0x19: {  	_ =	swait.ge [sflag:s12], $0x200  }
0x1a: {  	[sflag:s12] =	ssyncset.done $0x0  }
0x1b: {  	s28 =	simm.s32 $0x600;
	[sflag:s12] =	ssyncadd.s32 $0xFFFFFE00  }
0x1c: {  	[tilespmem:s28], [sflag:$0x3] =	stream.linear.gather [hbm4b:s9+s2], $0x200, $0x38;
	[tilespmem:$0x8A80] =	vst v63  }
0x1d: {  	_ =	swait.ge [sflag:s12], $0x200  }
0x1e: {  	[sflag:s12] =	ssyncset.done $0x0  }
0x1f: {  	[sflag:s12] =	ssyncadd.s32 $0xFFFFFE00  }
0x20: {  	[tilespmem:s14], [sflag:$0x3] =	stream.linear.gather [hbm4b:s5+s2], $0x80, $0x38;
	[tilespmem:$0x8A80] =	vst v63  }
0x21: {  	_ =	swait.ge [sflag:s12], $0x80  }
0x22: {  	[sflag:s12] =	ssyncset.done $0x0  }
0x23: {  	[sflag:s12] =	ssyncadd.s32 $0xFFFFFF80  }
0x24: {  	v1 =	vld [tilespmem:$0x8800];
	[tilespmem:s16], [sflag:$0x1] =	stream.indirect.gather [hbm4b:s3+s15], $0x80, s2, s15, $0xb8  }
0x25: {  	_ = 	snop  }
0x26: {  	[tilespmem:s17], [sflag:$0x2] =	stream.indirect.gather [hbm4b:s4+s15], $0x80, s13, s15, $0xb8;
	[tilespmem:$0x8A80] =	vst v63  }
0x27: {  	_ =	swait.ge [sflag:s18], $0x4000  }
0x28: {  	[sflag:s18] =	ssyncset.done $0x0  }
0x29: {  	[sflag:s18] =	ssyncadd.s32 $0xFFFFC000  }
0x2a: {  	_ =	swait.ge [sflag:s19], $0x4000  }
0x2b: {  	[sflag:s19] =	ssyncset.done $0x0  }
0x2c: {  	[sflag:s19] =	ssyncadd.s32 $0xFFFFC000  }
0x2d: {  	v2 =	vld [tilespmem:s0+$0x0]  }
0x2e: {  	v3 =	vld [tilespmem:s28+$0x0];
	_ =	sdelay $0x1  }
0x2f: {  	v4 =	vmov s2  }
0x30: {  	v4 =	vshll.u32 v4, $0x7  }
0x31: {  	v4 =	vor.u32 v0, v4;
	v5 =	vand.u32 $0xFFFFFF80, v2  }
0x32: {  	v2 =	vand.u32 $0x7F, v2;
	v6 =	vand.u32 $0xFFFFFF80, v3;
	v5 =	vadd.s32 v4, v5  }
0x33: {  	v3 =	vand.u32 $0x7F, v3;
	v4 =	vadd.s32 v4, v6;
	v2 =	vor.u32 v2, v5  }
0x34: {  	v3 =	vor.u32 v3, v4;
	_ =	sdelay $0x3  }
0x35: {  	v2 =	vld.idx.msk [tilespmem:v2+s16+$0x0], $0xffff  }
0x36: {  	v3 =	vld.idx.msk [tilespmem:v3+s17+$0x0], $0xffff;
	_ =	sdelay $0x4  }
0x37: {  	v2 =	vadd.f32 v3, v2;
	_ =	sdelay $0x1  }
0x38: {  	v2 =	vadd.f32 v2, v1;
	_ =	sdelay $0x1  }
0x39: {  	v2 =	vsub.f32 $0.0e+00, v2;
	_ =	sdelay $0x1  }
0x3a: {  	v2 =	vmul.f32 $1.442695020e+00, v2;
	_ =	sdelay $0x1  }
0x3b: {  	(erf) = vpow2.f32 v2;
	_ =	sdelay $0x8  }
0x3c: {  	v2 =	vpop (erf)  }
0x3d: {  	v2 =	vadd.f32 $1.000000000e+00, v2;
	_ =	sdelay $0x1  }
0x3e: {  	(erf) = vrcp.f32 v2;
	_ =	sdelay $0x8  }
0x3f: {  	v2 =	vpop (erf)  }
0x40: {  	s29 =	simm.s32 $0x210;
	[tilespmem:s25+$0x0] =	vst v2  }
0x41: {  	s30 =	simm.s32 $0x610;
	v3 =	vld [tilespmem:s29+$0x0]  }
0x42: {  	s31 =	simm.s32 $0x10;
	s0 =	simm.s32 $0x20;
	s28 =	simm.s32 $0x8880;
	v2 =	vld [tilespmem:s30+$0x0]  }
.LBB2_2:
0x43: {  	p0 =	sne.s32 s0, $0x70  }
0x44: {  	v4 =	vmov s31;
	s31 =	smov.u32 s0  }
0x45: {  	v4 =	vshll.u32 v4, $0x7  }
0x46: {  	v4 =	vor.u32 v0, v4;
	v5 =	vand.u32 $0xFFFFFF80, v3  }
0x47: {  	v3 =	vand.u32 $0x7F, v3;
	v5 =	vadd.s32 v4, v5;
	v6 =	vand.u32 $0xFFFFFF80, v2  }
0x48: {  	v2 =	vand.u32 $0x7F, v2;
	v3 =	vor.u32 v3, v5;
	v4 =	vadd.s32 v4, v6  }
0x49: {  	v2 =	vor.u32 v2, v4;
	_ =	sdelay $0x3  }
0x4a: {  	v3 =	vld.idx.msk [tilespmem:v3+s16+$0x0], $0xffff  }
0x4b: {  	v2 =	vld.idx.msk [tilespmem:v2+s17+$0x0], $0xffff;
	_ =	sdelay $0x5  }
0x4c: {  	v2 =	vadd.f32 v2, v3;
	_ =	sdelay $0x1  }
0x4d: {  	v2 =	vadd.f32 v2, v1;
	_ =	sdelay $0x1  }
0x4e: {  	v2 =	vsub.f32 $0.0e+00, v2;
	_ =	sdelay $0x1  }
0x4f: {  	v2 =	vmul.f32 $1.442695020e+00, v2;
	_ =	sdelay $0x1  }
0x50: {  	(erf) = vpow2.f32 v2;
	_ =	sdelay $0x8  }
0x51: {  	v2 =	vpop (erf)  }
0x52: {  	v2 =	vadd.f32 $1.000000000e+00, v2;
	_ =	sdelay $0x1  }
0x53: {  	(erf) = vrcp.f32 v2;
	_ =	sdelay $0x7  }
.Ltmp0:
0x54: {  	(pc) =	sbr.rel @p0 .LBB2_2-.Ltmp0, $4  }
0x55: {  	s28 =	sadd.s32 $0x10, s28;
	v2 =	vpop (erf)  }
0x56: {  	s29 =	sadd.s32 $0x10, s29;
	[tilespmem:s28+$0x0] =	vst v2  }
0x57: {  	s30 =	sadd.s32 $0x10, s30;
	v3 =	vld [tilespmem:s29+$0x0]  }
0x58: {  	s0 =	sadd.s32 $0x10, s0;
	v2 =	vld [tilespmem:s30+$0x0]  }
0x59: {  	_ = 	snop  }
0x5a: {  	v4 =	vmov s31  }
0x5b: {  	v4 =	vshll.u32 v4, $0x7  }
0x5c: {  	v4 =	vor.u32 v0, v4;
	v5 =	vand.u32 $0xFFFFFF80, v3  }
0x5d: {  	v3 =	vand.u32 $0x7F, v3;
	v5 =	vadd.s32 v4, v5;
	v6 =	vand.u32 $0xFFFFFF80, v2  }
0x5e: {  	v2 =	vand.u32 $0x7F, v2;
	v3 =	vor.u32 v3, v5;
	v4 =	vadd.s32 v4, v6  }
0x5f: {  	v2 =	vor.u32 v2, v4;
	_ =	sdelay $0x3  }
0x60: {  	v3 =	vld.idx.msk [tilespmem:v3+s16+$0x0], $0xffff  }
0x61: {  	v2 =	vld.idx.msk [tilespmem:v2+s17+$0x0], $0xffff;
	_ =	sdelay $0x4  }
0x62: {  	v2 =	vadd.f32 v2, v3;
	_ =	sdelay $0x1  }
0x63: {  	v2 =	vadd.f32 v2, v1;
	_ =	sdelay $0x1  }
0x64: {  	v2 =	vsub.f32 $0.0e+00, v2;
	_ =	sdelay $0x1  }
0x65: {  	v2 =	vmul.f32 $1.442695020e+00, v2;
	_ =	sdelay $0x1  }
0x66: {  	(erf) = vpow2.f32 v2;
	_ =	sdelay $0x8  }
0x67: {  	v2 =	vpop (erf)  }
0x68: {  	v2 =	vadd.f32 $1.000000000e+00, v2;
	_ =	sdelay $0x1  }
0x69: {  	(erf) = vrcp.f32 v2;
	_ =	sdelay $0x8  }
0x6a: {  	s0 =	sadd.s32 $0x10, s28;
	v2 =	vpop (erf)  }
0x6b: {  	[tilespmem:s0+$0x0] =	vst v2  }
0x6c: {  	[tilespmem:s16], [sflag:$0x1] =	stream.indirect.gather [hbm4b:s3+s15], $0x80, s15, s15, $0xb8;
	[tilespmem:$0x8A80] =	vst v63  }
0x6d: {  	_ = 	snop  }
0x6e: {  	[tilespmem:s17], [sflag:$0x2] =	stream.indirect.gather [hbm4b:s4+s15], $0x80, s20, s15, $0xb8;
	[tilespmem:$0x8A80] =	vst v63  }
0x6f: {  	_ =	swait.ge [sflag:s18], $0x4000  }
0x70: {  	[sflag:s18] =	ssyncset.done $0x0  }
0x71: {  	[sflag:s18] =	ssyncadd.s32 $0xFFFFC000  }
0x72: {  	_ =	swait.ge [sflag:s19], $0x4000  }
0x73: {  	[sflag:s19] =	ssyncset.done $0x0  }
0x74: {  	s0 =	simm.s32 $0x280;
	[sflag:s19] =	ssyncadd.s32 $0xFFFFC000  }
0x75: {  	s28 =	simm.s32 $0x680;
	v2 =	vld [tilespmem:s0+$0x0]  }
0x76: {  	v3 =	vld [tilespmem:s28+$0x0]  }
0x77: {  	s0 =	simm.s32 $0x0  }
0x78: {  	v4 =	vmov s0  }
0x79: {  	v4 =	vshll.u32 v4, $0x7  }
0x7a: {  	v4 =	vor.u32 v0, v4;
	v5 =	vand.u32 $0xFFFFFF80, v2  }
0x7b: {  	v2 =	vand.u32 $0x7F, v2;
	v63 =	vand.u32 $0xFFFFFF80, v3;
	v5 =	vadd.s32 v4, v5  }
0x7c: {  	v3 =	vand.u32 $0x7F, v3;
	v4 =	vadd.s32 v4, v63;
	v2 =	vor.u32 v2, v5  }
0x7d: {  	v3 =	vor.u32 v3, v4;
	_ =	sdelay $0x3  }
0x7e: {  	v2 =	vld.idx.msk [tilespmem:v2+s16+$0x0], $0xffff  }
0x7f: {  	v3 =	vld.idx.msk [tilespmem:v3+s17+$0x0], $0xffff;
	_ =	sdelay $0x4  }
0x80: {  	v2 =	vadd.f32 v3, v2;
	_ =	sdelay $0x1  }
0x81: {  	v2 =	vadd.f32 v2, v1;
	_ =	sdelay $0x1  }
0x82: {  	v2 =	vsub.f32 $0.0e+00, v2;
	_ =	sdelay $0x1  }
0x83: {  	v2 =	vmul.f32 $1.442695020e+00, v2;
	_ =	sdelay $0x1  }
0x84: {  	(erf) = vpow2.f32 v2;
	_ =	sdelay $0x8  }
0x85: {  	v2 =	vpop (erf)  }
0x86: {  	v2 =	vadd.f32 $1.000000000e+00, v2;
	_ =	sdelay $0x1  }
0x87: {  	(erf) = vrcp.f32 v2;
	_ =	sdelay $0x8  }
0x88: {  	s28 =	simm.s32 $0x8900;
	v2 =	vpop (erf)  }
0x89: {  	s29 =	simm.s32 $0x290;
	[tilespmem:s28+$0x0] =	vst v2  }
0x8a: {  	s30 =	simm.s32 $0x690;
	v3 =	vld [tilespmem:s29+$0x0]  }
0x8b: {  	s31 =	simm.s32 $0x10;
	s0 =	simm.s32 $0x20;
	v2 =	vld [tilespmem:s30+$0x0]  }
.LBB2_4:
0x8c: {  	p0 =	sne.s32 s0, $0x70  }
0x8d: {  	v4 =	vmov s31;
	s31 =	smov.u32 s0  }
0x8e: {  	v4 =	vshll.u32 v4, $0x7  }
0x8f: {  	v4 =	vor.u32 v0, v4;
	v5 =	vand.u32 $0xFFFFFF80, v3  }
0x90: {  	v3 =	vand.u32 $0x7F, v3;
	v5 =	vadd.s32 v4, v5;
	v6 =	vand.u32 $0xFFFFFF80, v2  }
0x91: {  	v2 =	vand.u32 $0x7F, v2;
	v3 =	vor.u32 v3, v5;
	v4 =	vadd.s32 v4, v6  }
0x92: {  	v2 =	vor.u32 v2, v4;
	_ =	sdelay $0x3  }
0x93: {  	v3 =	vld.idx.msk [tilespmem:v3+s16+$0x0], $0xffff  }
0x94: {  	v2 =	vld.idx.msk [tilespmem:v2+s17+$0x0], $0xffff;
	_ =	sdelay $0x5  }
0x95: {  	v2 =	vadd.f32 v2, v3;
	_ =	sdelay $0x1  }
0x96: {  	v2 =	vadd.f32 v2, v1;
	_ =	sdelay $0x1  }
0x97: {  	v2 =	vsub.f32 $0.0e+00, v2;
	_ =	sdelay $0x1  }
0x98: {  	v2 =	vmul.f32 $1.442695020e+00, v2;
	_ =	sdelay $0x1  }
0x99: {  	(erf) = vpow2.f32 v2;
	_ =	sdelay $0x8  }
0x9a: {  	v2 =	vpop (erf)  }
0x9b: {  	v2 =	vadd.f32 $1.000000000e+00, v2;
	_ =	sdelay $0x1  }
0x9c: {  	(erf) = vrcp.f32 v2;
	_ =	sdelay $0x7  }
.Ltmp1:
0x9d: {  	(pc) =	sbr.rel @p0 .LBB2_4-.Ltmp1, $4  }
0x9e: {  	s28 =	sadd.s32 $0x10, s28;
	v2 =	vpop (erf)  }
0x9f: {  	s29 =	sadd.s32 $0x10, s29;
	[tilespmem:s28+$0x0] =	vst v2  }
0xa0: {  	s30 =	sadd.s32 $0x10, s30;
	v3 =	vld [tilespmem:s29+$0x0]  }
0xa1: {  	s0 =	sadd.s32 $0x10, s0;
	v2 =	vld [tilespmem:s30+$0x0]  }
0xa2: {  	_ = 	snop  }
0xa3: {  	v4 =	vmov s31  }
0xa4: {  	v4 =	vshll.u32 v4, $0x7  }
0xa5: {  	v4 =	vor.u32 v0, v4;
	v5 =	vand.u32 $0xFFFFFF80, v3  }
0xa6: {  	v3 =	vand.u32 $0x7F, v3;
	v5 =	vadd.s32 v4, v5;
	v6 =	vand.u32 $0xFFFFFF80, v2  }
0xa7: {  	v2 =	vand.u32 $0x7F, v2;
	v3 =	vor.u32 v3, v5;
	v4 =	vadd.s32 v4, v6  }
0xa8: {  	v2 =	vor.u32 v2, v4;
	_ =	sdelay $0x3  }
0xa9: {  	v3 =	vld.idx.msk [tilespmem:v3+s16+$0x0], $0xffff  }
0xaa: {  	v2 =	vld.idx.msk [tilespmem:v2+s17+$0x0], $0xffff;
	_ =	sdelay $0x4  }
0xab: {  	v2 =	vadd.f32 v2, v3;
	_ =	sdelay $0x1  }
0xac: {  	v2 =	vadd.f32 v2, v1;
	_ =	sdelay $0x1  }
0xad: {  	v2 =	vsub.f32 $0.0e+00, v2;
	_ =	sdelay $0x1  }
0xae: {  	v2 =	vmul.f32 $1.442695020e+00, v2;
	_ =	sdelay $0x1  }
0xaf: {  	(erf) = vpow2.f32 v2;
	_ =	sdelay $0x8  }
0xb0: {  	v2 =	vpop (erf)  }
0xb1: {  	v2 =	vadd.f32 $1.000000000e+00, v2;
	_ =	sdelay $0x1  }
0xb2: {  	(erf) = vrcp.f32 v2;
	_ =	sdelay $0x8  }
0xb3: {  	s0 =	sadd.s32 $0x10, s28;
	v2 =	vpop (erf)  }
0xb4: {  	[tilespmem:s0+$0x0] =	vst v2  }
0xb5: {  	[tilespmem:s16], [sflag:$0x1] =	stream.indirect.gather [hbm4b:s3+s15], $0x80, s21, s15, $0xb8;
	[tilespmem:$0x8A80] =	vst v63  }
0xb6: {  	_ = 	snop  }
0xb7: {  	[tilespmem:s17], [sflag:$0x2] =	stream.indirect.gather [hbm4b:s4+s15], $0x80, s22, s15, $0xb8;
	[tilespmem:$0x8A80] =	vst v63  }
0xb8: {  	_ =	swait.ge [sflag:s18], $0x4000  }
0xb9: {  	[sflag:s18] =	ssyncset.done $0x0  }
0xba: {  	[sflag:s18] =	ssyncadd.s32 $0xFFFFC000  }
0xbb: {  	_ =	swait.ge [sflag:s19], $0x4000  }
0xbc: {  	[sflag:s19] =	ssyncset.done $0x0  }
0xbd: {  	s0 =	simm.s32 $0x300;
	[sflag:s19] =	ssyncadd.s32 $0xFFFFC000  }
0xbe: {  	s28 =	simm.s32 $0x700;
	v2 =	vld [tilespmem:s0+$0x0]  }
0xbf: {  	v3 =	vld [tilespmem:s28+$0x0]  }
0xc0: {  	s0 =	simm.s32 $0x0  }
0xc1: {  	v4 =	vmov s0  }
0xc2: {  	v4 =	vshll.u32 v4, $0x7  }
0xc3: {  	v4 =	vor.u32 v0, v4;
	v5 =	vand.u32 $0xFFFFFF80, v2  }
0xc4: {  	v2 =	vand.u32 $0x7F, v2;
	v63 =	vand.u32 $0xFFFFFF80, v3;
	v5 =	vadd.s32 v4, v5  }
0xc5: {  	v3 =	vand.u32 $0x7F, v3;
	v4 =	vadd.s32 v4, v63;
	v2 =	vor.u32 v2, v5  }
0xc6: {  	v3 =	vor.u32 v3, v4;
	_ =	sdelay $0x3  }
0xc7: {  	v2 =	vld.idx.msk [tilespmem:v2+s16+$0x0], $0xffff  }
0xc8: {  	v3 =	vld.idx.msk [tilespmem:v3+s17+$0x0], $0xffff;
	_ =	sdelay $0x4  }
0xc9: {  	v2 =	vadd.f32 v3, v2;
	_ =	sdelay $0x1  }
0xca: {  	v2 =	vadd.f32 v2, v1;
	_ =	sdelay $0x1  }
0xcb: {  	v2 =	vsub.f32 $0.0e+00, v2;
	_ =	sdelay $0x1  }
0xcc: {  	v2 =	vmul.f32 $1.442695020e+00, v2;
	_ =	sdelay $0x1  }
0xcd: {  	(erf) = vpow2.f32 v2;
	_ =	sdelay $0x8  }
0xce: {  	v2 =	vpop (erf)  }
0xcf: {  	v2 =	vadd.f32 $1.000000000e+00, v2;
	_ =	sdelay $0x1  }
0xd0: {  	(erf) = vrcp.f32 v2;
	_ =	sdelay $0x8  }
0xd1: {  	s28 =	simm.s32 $0x8980;
	v2 =	vpop (erf)  }
0xd2: {  	s29 =	simm.s32 $0x310;
	[tilespmem:s28+$0x0] =	vst v2  }
0xd3: {  	s30 =	simm.s32 $0x710;
	v3 =	vld [tilespmem:s29+$0x0]  }
0xd4: {  	s31 =	simm.s32 $0x10;
	s0 =	simm.s32 $0x20;
	v2 =	vld [tilespmem:s30+$0x0]  }
.LBB2_6:
0xd5: {  	p0 =	sne.s32 s0, $0x70  }
0xd6: {  	v4 =	vmov s31;
	s31 =	smov.u32 s0  }
0xd7: {  	v4 =	vshll.u32 v4, $0x7  }
0xd8: {  	v4 =	vor.u32 v0, v4;
	v5 =	vand.u32 $0xFFFFFF80, v3  }
0xd9: {  	v3 =	vand.u32 $0x7F, v3;
	v5 =	vadd.s32 v4, v5;
	v6 =	vand.u32 $0xFFFFFF80, v2  }
0xda: {  	v2 =	vand.u32 $0x7F, v2;
	v3 =	vor.u32 v3, v5;
	v4 =	vadd.s32 v4, v6  }
0xdb: {  	v2 =	vor.u32 v2, v4;
	_ =	sdelay $0x3  }
0xdc: {  	v3 =	vld.idx.msk [tilespmem:v3+s16+$0x0], $0xffff  }
0xdd: {  	v2 =	vld.idx.msk [tilespmem:v2+s17+$0x0], $0xffff;
	_ =	sdelay $0x5  }
0xde: {  	v2 =	vadd.f32 v2, v3;
	_ =	sdelay $0x1  }
0xdf: {  	v2 =	vadd.f32 v2, v1;
	_ =	sdelay $0x1  }
0xe0: {  	v2 =	vsub.f32 $0.0e+00, v2;
	_ =	sdelay $0x1  }
0xe1: {  	v2 =	vmul.f32 $1.442695020e+00, v2;
	_ =	sdelay $0x1  }
0xe2: {  	(erf) = vpow2.f32 v2;
	_ =	sdelay $0x8  }
0xe3: {  	v2 =	vpop (erf)  }
0xe4: {  	v2 =	vadd.f32 $1.000000000e+00, v2;
	_ =	sdelay $0x1  }
0xe5: {  	(erf) = vrcp.f32 v2;
	_ =	sdelay $0x7  }
.Ltmp2:
0xe6: {  	(pc) =	sbr.rel @p0 .LBB2_6-.Ltmp2, $4  }
0xe7: {  	s28 =	sadd.s32 $0x10, s28;
	v2 =	vpop (erf)  }
0xe8: {  	s29 =	sadd.s32 $0x10, s29;
	[tilespmem:s28+$0x0] =	vst v2  }
0xe9: {  	s30 =	sadd.s32 $0x10, s30;
	v3 =	vld [tilespmem:s29+$0x0]  }
0xea: {  	s0 =	sadd.s32 $0x10, s0;
	v2 =	vld [tilespmem:s30+$0x0]  }
0xeb: {  	_ = 	snop  }
0xec: {  	v4 =	vmov s31  }
0xed: {  	v4 =	vshll.u32 v4, $0x7  }
0xee: {  	v4 =	vor.u32 v0, v4;
	v5 =	vand.u32 $0xFFFFFF80, v3  }
0xef: {  	v3 =	vand.u32 $0x7F, v3;
	v5 =	vadd.s32 v4, v5;
	v6 =	vand.u32 $0xFFFFFF80, v2  }
0xf0: {  	v2 =	vand.u32 $0x7F, v2;
	v3 =	vor.u32 v3, v5;
	v4 =	vadd.s32 v4, v6  }
0xf1: {  	v2 =	vor.u32 v2, v4;
	_ =	sdelay $0x3  }
0xf2: {  	v3 =	vld.idx.msk [tilespmem:v3+s16+$0x0], $0xffff  }
0xf3: {  	v2 =	vld.idx.msk [tilespmem:v2+s17+$0x0], $0xffff;
	_ =	sdelay $0x4  }
0xf4: {  	v2 =	vadd.f32 v2, v3;
	_ =	sdelay $0x1  }
0xf5: {  	v2 =	vadd.f32 v2, v1;
	_ =	sdelay $0x1  }
0xf6: {  	v2 =	vsub.f32 $0.0e+00, v2;
	_ =	sdelay $0x1  }
0xf7: {  	v2 =	vmul.f32 $1.442695020e+00, v2;
	_ =	sdelay $0x1  }
0xf8: {  	(erf) = vpow2.f32 v2;
	_ =	sdelay $0x8  }
0xf9: {  	v2 =	vpop (erf)  }
0xfa: {  	v2 =	vadd.f32 $1.000000000e+00, v2;
	_ =	sdelay $0x1  }
0xfb: {  	(erf) = vrcp.f32 v2;
	_ =	sdelay $0x8  }
0xfc: {  	s0 =	sadd.s32 $0x10, s28;
	v2 =	vpop (erf)  }
0xfd: {  	[tilespmem:s0+$0x0] =	vst v2  }
0xfe: {  	[tilespmem:s16], [sflag:$0x1] =	stream.indirect.gather [hbm4b:s3+s15], $0x80, s23, s15, $0xb8;
	[tilespmem:$0x8A80] =	vst v63  }
0xff: {  	_ = 	snop  }
0x100: {  	[tilespmem:s17], [sflag:$0x2] =	stream.indirect.gather [hbm4b:s4+s15], $0x80, s24, s15, $0xb8;
	[tilespmem:$0x8A80] =	vst v63  }
0x101: {  	_ =	swait.ge [sflag:s18], $0x4000  }
0x102: {  	[sflag:s18] =	ssyncset.done $0x0  }
0x103: {  	[sflag:s18] =	ssyncadd.s32 $0xFFFFC000  }
0x104: {  	_ =	swait.ge [sflag:s19], $0x4000  }
0x105: {  	[sflag:s19] =	ssyncset.done $0x0  }
0x106: {  	s0 =	simm.s32 $0x380;
	[sflag:s19] =	ssyncadd.s32 $0xFFFFC000  }
0x107: {  	s28 =	simm.s32 $0x780;
	v2 =	vld [tilespmem:s0+$0x0]  }
0x108: {  	v3 =	vld [tilespmem:s28+$0x0]  }
0x109: {  	s0 =	simm.s32 $0x0  }
0x10a: {  	v4 =	vmov s0  }
0x10b: {  	v4 =	vshll.u32 v4, $0x7  }
0x10c: {  	v4 =	vor.u32 v0, v4;
	v5 =	vand.u32 $0xFFFFFF80, v2  }
0x10d: {  	v2 =	vand.u32 $0x7F, v2;
	v63 =	vand.u32 $0xFFFFFF80, v3;
	v5 =	vadd.s32 v4, v5  }
0x10e: {  	v3 =	vand.u32 $0x7F, v3;
	v4 =	vadd.s32 v4, v63;
	v2 =	vor.u32 v2, v5  }
0x10f: {  	v3 =	vor.u32 v3, v4;
	_ =	sdelay $0x3  }
0x110: {  	v2 =	vld.idx.msk [tilespmem:v2+s16+$0x0], $0xffff  }
0x111: {  	v3 =	vld.idx.msk [tilespmem:v3+s17+$0x0], $0xffff;
	_ =	sdelay $0x4  }
0x112: {  	v2 =	vadd.f32 v3, v2;
	_ =	sdelay $0x1  }
0x113: {  	v2 =	vadd.f32 v2, v1;
	_ =	sdelay $0x1  }
0x114: {  	v2 =	vsub.f32 $0.0e+00, v2;
	_ =	sdelay $0x1  }
0x115: {  	v2 =	vmul.f32 $1.442695020e+00, v2;
	_ =	sdelay $0x1  }
0x116: {  	(erf) = vpow2.f32 v2;
	_ =	sdelay $0x8  }
0x117: {  	v2 =	vpop (erf)  }
0x118: {  	v2 =	vadd.f32 $1.000000000e+00, v2;
	_ =	sdelay $0x1  }
0x119: {  	(erf) = vrcp.f32 v2;
	_ =	sdelay $0x8  }
0x11a: {  	s28 =	simm.s32 $0x8A00;
	v2 =	vpop (erf)  }
0x11b: {  	s29 =	simm.s32 $0x390;
	[tilespmem:s28+$0x0] =	vst v2  }
0x11c: {  	s30 =	simm.s32 $0x790;
	v3 =	vld [tilespmem:s29+$0x0]  }
0x11d: {  	s31 =	simm.s32 $0x10;
	s0 =	simm.s32 $0x20;
	v2 =	vld [tilespmem:s30+$0x0]  }
.LBB2_8:
0x11e: {  	p0 =	sne.s32 s0, $0x70  }
0x11f: {  	v4 =	vmov s31;
	s31 =	smov.u32 s0  }
0x120: {  	v4 =	vshll.u32 v4, $0x7  }
0x121: {  	v4 =	vor.u32 v0, v4;
	v5 =	vand.u32 $0xFFFFFF80, v3  }
0x122: {  	v3 =	vand.u32 $0x7F, v3;
	v5 =	vadd.s32 v4, v5;
	v6 =	vand.u32 $0xFFFFFF80, v2  }
0x123: {  	v2 =	vand.u32 $0x7F, v2;
	v3 =	vor.u32 v3, v5;
	v4 =	vadd.s32 v4, v6  }
0x124: {  	v2 =	vor.u32 v2, v4;
	_ =	sdelay $0x3  }
0x125: {  	v3 =	vld.idx.msk [tilespmem:v3+s16+$0x0], $0xffff  }
0x126: {  	v2 =	vld.idx.msk [tilespmem:v2+s17+$0x0], $0xffff;
	_ =	sdelay $0x5  }
0x127: {  	v2 =	vadd.f32 v2, v3;
	_ =	sdelay $0x1  }
0x128: {  	v2 =	vadd.f32 v2, v1;
	_ =	sdelay $0x1  }
0x129: {  	v2 =	vsub.f32 $0.0e+00, v2;
	_ =	sdelay $0x1  }
0x12a: {  	v2 =	vmul.f32 $1.442695020e+00, v2;
	_ =	sdelay $0x1  }
0x12b: {  	(erf) = vpow2.f32 v2;
	_ =	sdelay $0x8  }
0x12c: {  	v2 =	vpop (erf)  }
0x12d: {  	v2 =	vadd.f32 $1.000000000e+00, v2;
	_ =	sdelay $0x1  }
0x12e: {  	(erf) = vrcp.f32 v2;
	_ =	sdelay $0x7  }
.Ltmp3:
0x12f: {  	(pc) =	sbr.rel @p0 .LBB2_8-.Ltmp3, $4  }
0x130: {  	s28 =	sadd.s32 $0x10, s28;
	v2 =	vpop (erf)  }
0x131: {  	s29 =	sadd.s32 $0x10, s29;
	[tilespmem:s28+$0x0] =	vst v2  }
0x132: {  	s30 =	sadd.s32 $0x10, s30;
	v3 =	vld [tilespmem:s29+$0x0]  }
0x133: {  	s0 =	sadd.s32 $0x10, s0;
	v2 =	vld [tilespmem:s30+$0x0]  }
0x134: {  	_ = 	snop  }
0x135: {  	v4 =	vmov s31  }
0x136: {  	v4 =	vshll.u32 v4, $0x7  }
0x137: {  	v4 =	vor.u32 v0, v4;
	v5 =	vand.u32 $0xFFFFFF80, v3  }
0x138: {  	v3 =	vand.u32 $0x7F, v3;
	v5 =	vadd.s32 v4, v5;
	v6 =	vand.u32 $0xFFFFFF80, v2  }
0x139: {  	v2 =	vand.u32 $0x7F, v2;
	v3 =	vor.u32 v3, v5;
	v4 =	vadd.s32 v4, v6  }
0x13a: {  	v2 =	vor.u32 v2, v4;
	_ =	sdelay $0x3  }
0x13b: {  	v3 =	vld.idx.msk [tilespmem:v3+s16+$0x0], $0xffff  }
0x13c: {  	v2 =	vld.idx.msk [tilespmem:v2+s17+$0x0], $0xffff;
	_ =	sdelay $0x4  }
0x13d: {  	v2 =	vadd.f32 v2, v3;
	_ =	sdelay $0x1  }
0x13e: {  	v1 =	vadd.f32 v2, v1;
	_ =	sdelay $0x1  }
0x13f: {  	v1 =	vsub.f32 $0.0e+00, v1;
	_ =	sdelay $0x1  }
0x140: {  	v1 =	vmul.f32 $1.442695020e+00, v1;
	_ =	sdelay $0x1  }
0x141: {  	(erf) = vpow2.f32 v1;
	_ =	sdelay $0x8  }
0x142: {  	v1 =	vpop (erf)  }
0x143: {  	v1 =	vadd.f32 $1.000000000e+00, v1;
	_ =	sdelay $0x1  }
0x144: {  	(erf) = vrcp.f32 v1;
	_ =	sdelay $0x7  }
0x145: {  	s26 =	sadd.s32 $0x1, s26  }
0x146: {  	s0 =	sadd.s32 $0x10, s28;
	p0 =	sne.s32 s26, s11;
	v1 =	vpop (erf)  }
.Ltmp4:
0x147: {  	[tilespmem:s0+$0x0] =	vst v1;
	(pc) =	sbr.rel @p0 .LBB2_1-.Ltmp4, $4  }
0x148: {  	[hbm4b:s10+s2] =	stream.linear.scatter [tilespmem:s25], [sflag:$0x3], $0x200, $0x38;
	[tilespmem:$0x8A80] =	vst v63  }
0x149: {  	_ =	swait.ge [sflag:s12], $0x200  }
0x14a: {  	[sflag:s12] =	ssyncset.done $0x0  }
0x14b: {  	[sflag:s12] =	ssyncadd.s32 $0xFFFFFE00  }
0x14c: {  	_ =	sfence.sel $0x180000  }
0x14d: {  	[bflag:$0x0] =	sbarrier.arrive $0xFFFF  }
0x14e: {  	_ =	strace $0x90000047  }
0x14f: {  	[bflag:$0x2] =	sbarrier.arrive $0xFFFF  }
0x150: {  	p0 =	sne.s32 s1, $0x0;
	s0 =	rddreg [dreg:$0x2]  }
0x151: {  	s0 =	sadd.s32 @!p0 $0x100000, s0  }
0x152: {  	[sflag:s0] =	ssyncadd.tile.s32 @!p0 $0x1;
	_ =	shalt  }
.Lfunc_end2:
_tile_overlayer_lowered:
.L_overlay_start_2:
0x153: {  	(tag) =	ssettag $0x2  }
0x154: {  	s0 =	rddreg [dreg:$0x0];
	s2 =	stileid.u32  }
0x155: {  	s1 =	rddreg [dreg:$0x1];
	p0 =	sne.s32 s2, $0x0  }
0x156: {  	s3 =	rddreg [dreg:$0x2];
	[bflag:$0x3] =	sbarrier.arrive $0xFFFF;
	s2 =	simm.s32 @!p0 $0x1C03  }
0x157: {  	[timem:s3], [sflag:s2] =	dma.local @!p0 [hbm:s0], s1  }
0x158: {  	s0 =	simm.s32 @!p0 $0x3  }
0x159: {  	_ =	swait.ge @!p0 [sflag:s0], s1  }
0x15a: {  	s1 =	ssub.s32 @!p0 $0x0, s1;
	[sflag:s0] =	ssyncset.done @!p0 $0x0  }
0x15b: {  	[sflag:s0] =	ssyncadd.s32 @!p0 s1  }
0x15c: {  	[bflag:$0x3] =	sbarrier.arrive $0xFFFF  }
0x15d: {  	_ =	shalt  }

</sc_bundles>
